<compile_context>
chip_gen: v7x
topology: tpu7x:2x2x1
jax: 0.10.2.dev20260603
libtpu: 0.0.44.dev20260713+nightly
codegen_flags: <defaults>
</compile_context>

<pallas_src>
import functools

import jax
import jax.numpy as jnp
from jax import lax
from jax.experimental import pallas as pl
from jax.experimental.pallas import tpu as pltpu
from jax.experimental.pallas import tpu_sc as plsc

_VOCAB = 1000000
_EMBED_DIM = 64
_BATCH = 4096
_HIST = 200
_B = _BATCH * _HIST

_NC = 2
_NS = 16
_NW = _NC * _NS
_BPW = _BATCH // _NW
_PER_W = _BPW * _HIST
_NB = 2
_GROWS = _NB * _HIST
_CHUNK = 80
_GCH = _GROWS // _CHUNK
_NG = _BPW // _NB


def _build():
    mesh = plsc.VectorSubcoreMesh(core_axis_name="c", subcore_axis_name="s")

    @functools.partial(
        pl.kernel,
        out_type=jax.ShapeDtypeStruct((_BATCH, _HIST, _EMBED_DIM),
                                      jnp.float32),
        mesh=mesh,
        scratch_types=[
            pltpu.VMEM((_PER_W,), jnp.int32),
            pltpu.VMEM((_GROWS, _EMBED_DIM), jnp.float32),
            pltpu.VMEM((_GROWS, _EMBED_DIM), jnp.float32),
            pltpu.SemaphoreType.DMA,
            pltpu.SemaphoreType.DMA,
            pltpu.SemaphoreType.DMA,
            pltpu.SemaphoreType.DMA,
        ],
        compiler_params=pltpu.CompilerParams(use_tc_tiling_on_sc=False),
    )
    def gather_kernel(table_hbm, idx_hbm, out_hbm, idx_v, buf0, buf1,
                      g0, g1, s0, s1):
        wid = lax.axis_index("s") * _NC + lax.axis_index("c")
        base = wid * _PER_W
        bbase = wid * _BPW
        pltpu.sync_copy(idx_hbm.at[pl.ds(base, _PER_W)], idx_v)

        def fire_gathers(gi, buf, gsem):
            for j in range(_GCH):
                off = gi * _GROWS + j * _CHUNK
                pltpu.async_copy(
                    table_hbm.at[idx_v.at[pl.ds(off, _CHUNK)]],
                    buf.at[pl.ds(j * _CHUNK, _CHUNK)],
                    gsem)

        def drain_gathers(buf, gsem):
            for t in range(_NB):
                pltpu.make_async_copy(
                    out_hbm.at[bbase],
                    buf.at[pl.ds(t * _HIST, _HIST)], gsem).wait()

        def start_store(gi, buf, ssem):
            for t in range(_NB):
                pltpu.async_copy(
                    buf.at[pl.ds(t * _HIST, _HIST)],
                    out_hbm.at[bbase + gi * _NB + t], ssem)

        def drain_store(gi, buf, ssem):
            for t in range(_NB):
                pltpu.make_async_copy(
                    buf.at[pl.ds(t * _HIST, _HIST)],
                    out_hbm.at[bbase + gi * _NB + t], ssem).wait()

        fire_gathers(0, buf0, g0)

        def body_k(k, carry):
            a = 2 * k
            b = a + 1
            drain_gathers(buf0, g0)
            start_store(a, buf0, s0)

            @pl.when(k > 0)
            def _():
                drain_store(a - 1, buf1, s1)

            fire_gathers(b, buf1, g1)
            drain_gathers(buf1, g1)
            start_store(b, buf1, s1)
            drain_store(a, buf0, s0)

            @pl.when(k < _NG // 2 - 1)
            def _():
                fire_gathers(b + 1, buf0, g0)

            return carry

        lax.fori_loop(0, _NG // 2, body_k, 0)
        drain_store(_NG - 1, buf1, s1)

    return gather_kernel


_gather = _build()


def kernel(inputs, W):
    idx = inputs.reshape(-1).astype(jnp.int32)
    return _gather(W, idx)

# --- scband reference (transcript-rebuilt; emitter-appended) ---
"""Pipeline reference for scband-embedding-layer-39247411151337 (READ-ONLY COPY).

The authoritative reference and input builder live on the scoring server;
editing this copy changes nothing except your own understanding.
"""

import jax, jax.numpy as jnp
import numpy as np

VOCAB = 1000000
EMBED_DIM = 64
BATCH = 4096
HIST = 200

def setup_inputs(seed: int = 0) -> dict:
    key = jax.random.key(seed)
    k_idx, k_w = jax.random.split(key)
    inputs = jax.random.randint(k_idx, (BATCH, HIST), 0, VOCAB, dtype=jnp.int64 if jax.config.jax_enable_x64 else jnp.int32)
    # embedding weights initialized uniform(-1, 1) per _generate_random_embeddings
    W = jax.random.uniform(k_w, (VOCAB, EMBED_DIM), dtype=jnp.float32, minval=-1.0, maxval=1.0)
    return {"inputs": inputs, "W": W}

def reference(inputs, W):
    # x = self.encoder(inputs) -> embedding gather
    x = jnp.take(W, inputs, axis=0)
    # SpatialDropout is identity in eval mode (deterministic reference)
    return x

if __name__ == "__main__":
    import jax
    _d = setup_inputs()
    print(jax.jit(kernel)(*tuple(_d.values())))

</pallas_src>

<mosaic_0001>
#map = affine_map<(d0, d1) -> (0, 0)>
#map1 = affine_map<(d0, d1) -> (0)>
#map2 = affine_map<(d0, d1) -> (0, 0, 0)>
module attributes {stable_mosaic.version = 14 : i64} {
  func.func @gather_kernel(%arg0: i32, %arg1: i32, %arg2: memref<1000000x64xf32, #tpu.memory_space<hbm>>, %arg3: memref<819200xi32, #tpu.memory_space<hbm>>, %arg4: memref<4096x200x64xf32, #tpu.memory_space<hbm>>, %arg5: memref<25600xi32, #tpu.memory_space<vmem>>, %arg6: memref<400x64xf32, #tpu.memory_space<vmem>>, %arg7: memref<400x64xf32, #tpu.memory_space<vmem>>, %arg8: memref<!tpu.dma_semaphore, #tpu.memory_space<semaphore_mem>>, %arg9: memref<!tpu.dma_semaphore, #tpu.memory_space<semaphore_mem>>, %arg10: memref<!tpu.dma_semaphore, #tpu.memory_space<semaphore_mem>>, %arg11: memref<!tpu.dma_semaphore, #tpu.memory_space<semaphore_mem>>) attributes {dimension_semantics = [#tpu.dimension_semantics<core_parallel>, #tpu.dimension_semantics<subcore_parallel>], iteration_bounds = array<i64: 2, 16>, scalar_prefetch = 0 : i64, scratch_operands = 7 : i64, tpu.core_type = #tpu.core_type<sc_vector_subcore>, window_params = [{transform_indices = #map}, {transform_indices = #map1}, {transform_indices = #map2}]} {
    %mul3A = arith.constant 2 : i32
    %mul3A_0 = arith.muli %arg1, %mul3A : i32
    %add3A = arith.addi %mul3A_0, %arg0 : i32
    %mul3A_1 = arith.constant 25600 : i32
    %mul3A_2 = arith.muli %add3A, %mul3A_1 : i32
    %mul3A_3 = arith.constant 128 : i32
    %mul3A_4 = arith.muli %add3A, %mul3A_3 : i32
    "tpu.region"() ({
      %run_scoped3A = tpu.sem_alloc : memref<!tpu.dma_semaphore, #tpu.memory_space<semaphore_mem>>
      %dma_start3A_84 = tpu.memref_slice %arg3[%mul3A_2] : memref<819200xi32, #tpu.memory_space<hbm>> -> memref<25600xi32, #tpu.memory_space<hbm>>
      %dma_start3A_85 = tpu.memref_slice %arg3[%mul3A_2] : memref<819200xi32, #tpu.memory_space<hbm>> -> memref<25600xi32, #tpu.memory_space<hbm>>
      tpu.enqueue_dma source(%dma_start3A_85 : memref<25600xi32, #tpu.memory_space<hbm>>) target(%arg5 : memref<25600xi32, #tpu.memory_space<vmem>>) target_semaphore(%run_scoped3A : memref<!tpu.dma_semaphore, #tpu.memory_space<semaphore_mem>>)
      %dma_wait3A_86 = tpu.memref_slice %arg3[%mul3A_2] : memref<819200xi32, #tpu.memory_space<hbm>> -> memref<25600xi32, #tpu.memory_space<hbm>>
      %dma_wait3A_87 = tpu.memref_slice %arg3[%mul3A_2] : memref<819200xi32, #tpu.memory_space<hbm>> -> memref<25600xi32, #tpu.memory_space<hbm>>
      tpu.wait_dma2 semaphore(%run_scoped3A : memref<!tpu.dma_semaphore, #tpu.memory_space<semaphore_mem>>) src(%dma_wait3A_87 : memref<25600xi32, #tpu.memory_space<hbm>>) dst(%arg5 : memref<25600xi32, #tpu.memory_space<vmem>>)
      tpu.yield
    }) : () -> ()
    %dma_start3A = arith.constant 0 : i32
    %dma_start3A_5 = arith.constant 0 : i32
    %dma_start3A_6 = tpu.memref_slice %arg6[%dma_start3A, %dma_start3A_5] : memref<400x64xf32, #tpu.memory_space<vmem>> -> memref<80x64xf32, #tpu.memory_space<vmem>>
    %dma_start3A_7 = arith.constant 0 : i32
    %dma_start3A_8 = tpu.memref_slice %arg5[%dma_start3A_7] : memref<25600xi32, #tpu.memory_space<vmem>> -> memref<80xi32, #tpu.memory_space<vmem>>
    %dma_start3A_9 = arith.constant 0 : i32
    %dma_start3A_10 = arith.constant 0 : i32
    %dma_start3A_11 = tpu.memref_slice %arg2[%dma_start3A_9, %dma_start3A_10] : memref<1000000x64xf32, #tpu.memory_space<hbm>> -> memref<1000000x64xf32, #tpu.memory_space<hbm>>
    tpu.enqueue_indirect_dma source(%dma_start3A_11 : memref<1000000x64xf32, #tpu.memory_space<hbm>>) target(%dma_start3A_6 : memref<80x64xf32, #tpu.memory_space<vmem>>) offsets(%dma_start3A_8 : memref<80xi32, #tpu.memory_space<vmem>>) semaphore(%arg8 : memref<!tpu.dma_semaphore, #tpu.memory_space<semaphore_mem>>)
    %dma_start3A_12 = arith.constant 80 : i32
    %dma_start3A_13 = arith.constant 0 : i32
    %dma_start3A_14 = tpu.memref_slice %arg6[%dma_start3A_12, %dma_start3A_13] : memref<400x64xf32, #tpu.memory_space<vmem>> -> memref<80x64xf32, #tpu.memory_space<vmem>>
    %dma_start3A_15 = arith.constant 80 : i32
    %dma_start3A_16 = tpu.memref_slice %arg5[%dma_start3A_15] : memref<25600xi32, #tpu.memory_space<vmem>> -> memref<80xi32, #tpu.memory_space<vmem>>
    %dma_start3A_17 = arith.constant 0 : i32
    %dma_start3A_18 = arith.constant 0 : i32
    %dma_start3A_19 = tpu.memref_slice %arg2[%dma_start3A_17, %dma_start3A_18] : memref<1000000x64xf32, #tpu.memory_space<hbm>> -> memref<1000000x64xf32, #tpu.memory_space<hbm>>
    tpu.enqueue_indirect_dma source(%dma_start3A_19 : memref<1000000x64xf32, #tpu.memory_space<hbm>>) target(%dma_start3A_14 : memref<80x64xf32, #tpu.memory_space<vmem>>) offsets(%dma_start3A_16 : memref<80xi32, #tpu.memory_space<vmem>>) semaphore(%arg8 : memref<!tpu.dma_semaphore, #tpu.memory_space<semaphore_mem>>)
    %dma_start3A_20 = arith.constant 160 : i32
    %dma_start3A_21 = arith.constant 0 : i32
    %dma_start3A_22 = tpu.memref_slice %arg6[%dma_start3A_20, %dma_start3A_21] : memref<400x64xf32, #tpu.memory_space<vmem>> -> memref<80x64xf32, #tpu.memory_space<vmem>>
    %dma_start3A_23 = arith.constant 160 : i32
    %dma_start3A_24 = tpu.memref_slice %arg5[%dma_start3A_23] : memref<25600xi32, #tpu.memory_space<vmem>> -> memref<80xi32, #tpu.memory_space<vmem>>
    %dma_start3A_25 = arith.constant 0 : i32
    %dma_start3A_26 = arith.constant 0 : i32
    %dma_start3A_27 = tpu.memref_slice %arg2[%dma_start3A_25, %dma_start3A_26] : memref<1000000x64xf32, #tpu.memory_space<hbm>> -> memref<1000000x64xf32, #tpu.memory_space<hbm>>
    tpu.enqueue_indirect_dma source(%dma_start3A_27 : memref<1000000x64xf32, #tpu.memory_space<hbm>>) target(%dma_start3A_22 : memref<80x64xf32, #tpu.memory_space<vmem>>) offsets(%dma_start3A_24 : memref<80xi32, #tpu.memory_space<vmem>>) semaphore(%arg8 : memref<!tpu.dma_semaphore, #tpu.memory_space<semaphore_mem>>)
    %dma_start3A_28 = arith.constant 240 : i32
    %dma_start3A_29 = arith.constant 0 : i32
    %dma_start3A_30 = tpu.memref_slice %arg6[%dma_start3A_28, %dma_start3A_29] : memref<400x64xf32, #tpu.memory_space<vmem>> -> memref<80x64xf32, #tpu.memory_space<vmem>>
    %dma_start3A_31 = arith.constant 240 : i32
    %dma_start3A_32 = tpu.memref_slice %arg5[%dma_start3A_31] : memref<25600xi32, #tpu.memory_space<vmem>> -> memref<80xi32, #tpu.memory_space<vmem>>
    %dma_start3A_33 = arith.constant 0 : i32
    %dma_start3A_34 = arith.constant 0 : i32
    %dma_start3A_35 = tpu.memref_slice %arg2[%dma_start3A_33, %dma_start3A_34] : memref<1000000x64xf32, #tpu.memory_space<hbm>> -> memref<1000000x64xf32, #tpu.memory_space<hbm>>
    tpu.enqueue_indirect_dma source(%dma_start3A_35 : memref<1000000x64xf32, #tpu.memory_space<hbm>>) target(%dma_start3A_30 : memref<80x64xf32, #tpu.memory_space<vmem>>) offsets(%dma_start3A_32 : memref<80xi32, #tpu.memory_space<vmem>>) semaphore(%arg8 : memref<!tpu.dma_semaphore, #tpu.memory_space<semaphore_mem>>)
    %dma_start3A_36 = arith.constant 320 : i32
    %dma_start3A_37 = arith.constant 0 : i32
    %dma_start3A_38 = tpu.memref_slice %arg6[%dma_start3A_36, %dma_start3A_37] : memref<400x64xf32, #tpu.memory_space<vmem>> -> memref<80x64xf32, #tpu.memory_space<vmem>>
    %dma_start3A_39 = arith.constant 320 : i32
    %dma_start3A_40 = tpu.memref_slice %arg5[%dma_start3A_39] : memref<25600xi32, #tpu.memory_space<vmem>> -> memref<80xi32, #tpu.memory_space<vmem>>
    %dma_start3A_41 = arith.constant 0 : i32
    %dma_start3A_42 = arith.constant 0 : i32
    %dma_start3A_43 = tpu.memref_slice %arg2[%dma_start3A_41, %dma_start3A_42] : memref<1000000x64xf32, #tpu.memory_space<hbm>> -> memref<1000000x64xf32, #tpu.memory_space<hbm>>
    tpu.enqueue_indirect_dma source(%dma_start3A_43 : memref<1000000x64xf32, #tpu.memory_space<hbm>>) target(%dma_start3A_38 : memref<80x64xf32, #tpu.memory_space<vmem>>) offsets(%dma_start3A_40 : memref<80xi32, #tpu.memory_space<vmem>>) semaphore(%arg8 : memref<!tpu.dma_semaphore, #tpu.memory_space<semaphore_mem>>)
    %scan3A = arith.constant 0 : i32
    %scan3A_44 = arith.constant 0 : i32
    %scan3A_45 = arith.constant 32 : i32
    %scan3A_46 = arith.addi %scan3A_44, %scan3A_45 : i32
    %scan3A_47 = arith.constant 1 : i32
    scf.for %scan3A_84 = %scan3A_44 to %scan3A_46 step %scan3A_47  : i32 {
      %mul3A_85 = arith.constant 2 : i32
      %mul3A_86 = arith.muli %mul3A_85, %scan3A_84 : i32
      %add3A_87 = arith.constant 1 : i32
      %add3A_88 = arith.addi %mul3A_86, %add3A_87 : i32
      %dma_wait3A_89 = arith.constant 0 : i32
      %dma_wait3A_90 = arith.constant 0 : i32
      %dma_wait3A_91 = tpu.memref_slice %arg6[%dma_wait3A_89, %dma_wait3A_90] : memref<400x64xf32, #tpu.memory_space<vmem>> -> memref<200x64xf32, #tpu.memory_space<vmem>>
      %dma_wait3A_92 = arith.constant 0 : i32
      %dma_wait3A_93 = arith.constant 0 : i32
      %dma_wait3A_94 = tpu.memref_slice %arg4[%mul3A_4, %dma_wait3A_92, %dma_wait3A_93] : memref<4096x200x64xf32, #tpu.memory_space<hbm>> -> memref<1x200x64xf32, #tpu.memory_space<hbm>>
      %dma_wait3A_95 = tpu.memref_squeeze %dma_wait3A_94 : memref<1x200x64xf32, #tpu.memory_space<hbm>> -> memref<200x64xf32, #tpu.memory_space<hbm>>
      %dma_wait3A_96 = arith.constant 0 : i32
      %dma_wait3A_97 = arith.constant 0 : i32
      %dma_wait3A_98 = tpu.memref_slice %arg6[%dma_wait3A_96, %dma_wait3A_97] : memref<400x64xf32, #tpu.memory_space<vmem>> -> memref<200x64xf32, #tpu.memory_space<vmem>>
      %dma_wait3A_99 = arith.constant 0 : i32
      %dma_wait3A_100 = arith.constant 0 : i32
      %dma_wait3A_101 = tpu.memref_slice %arg4[%mul3A_4, %dma_wait3A_99, %dma_wait3A_100] : memref<4096x200x64xf32, #tpu.memory_space<hbm>> -> memref<1x200x64xf32, #tpu.memory_space<hbm>>
      %dma_wait3A_102 = tpu.memref_squeeze %dma_wait3A_101 : memref<1x200x64xf32, #tpu.memory_space<hbm>> -> memref<200x64xf32, #tpu.memory_space<hbm>>
      tpu.wait_dma2 semaphore(%arg8 : memref<!tpu.dma_semaphore, #tpu.memory_space<semaphore_mem>>) src(%dma_wait3A_102 : memref<200x64xf32, #tpu.memory_space<hbm>>) dst(%dma_wait3A_98 : memref<200x64xf32, #tpu.memory_space<vmem>>)
      %dma_wait3A_103 = arith.constant 200 : i32
      %dma_wait3A_104 = arith.constant 0 : i32
      %dma_wait3A_105 = tpu.memref_slice %arg6[%dma_wait3A_103, %dma_wait3A_104] : memref<400x64xf32, #tpu.memory_space<vmem>> -> memref<200x64xf32, #tpu.memory_space<vmem>>
      %dma_wait3A_106 = arith.constant 0 : i32
      %dma_wait3A_107 = arith.constant 0 : i32
      %dma_wait3A_108 = tpu.memref_slice %arg4[%mul3A_4, %dma_wait3A_106, %dma_wait3A_107] : memref<4096x200x64xf32, #tpu.memory_space<hbm>> -> memref<1x200x64xf32, #tpu.memory_space<hbm>>
      %dma_wait3A_109 = tpu.memref_squeeze %dma_wait3A_108 : memref<1x200x64xf32, #tpu.memory_space<hbm>> -> memref<200x64xf32, #tpu.memory_space<hbm>>
      %dma_wait3A_110 = arith.constant 200 : i32
      %dma_wait3A_111 = arith.constant 0 : i32
      %dma_wait3A_112 = tpu.memref_slice %arg6[%dma_wait3A_110, %dma_wait3A_111] : memref<400x64xf32, #tpu.memory_space<vmem>> -> memref<200x64xf32, #tpu.memory_space<vmem>>
      %dma_wait3A_113 = arith.constant 0 : i32
      %dma_wait3A_114 = arith.constant 0 : i32
      %dma_wait3A_115 = tpu.memref_slice %arg4[%mul3A_4, %dma_wait3A_113, %dma_wait3A_114] : memref<4096x200x64xf32, #tpu.memory_space<hbm>> -> memref<1x200x64xf32, #tpu.memory_space<hbm>>
      %dma_wait3A_116 = tpu.memref_squeeze %dma_wait3A_115 : memref<1x200x64xf32, #tpu.memory_space<hbm>> -> memref<200x64xf32, #tpu.memory_space<hbm>>
      tpu.wait_dma2 semaphore(%arg8 : memref<!tpu.dma_semaphore, #tpu.memory_space<semaphore_mem>>) src(%dma_wait3A_116 : memref<200x64xf32, #tpu.memory_space<hbm>>) dst(%dma_wait3A_112 : memref<200x64xf32, #tpu.memory_space<vmem>>)
      %mul3A_117 = arith.constant 2 : i32
      %mul3A_118 = arith.muli %mul3A_86, %mul3A_117 : i32
      %add3A_119 = arith.addi %mul3A_4, %mul3A_118 : i32
      %add3A_120 = arith.constant 0 : i32
      %add3A_121 = arith.addi %add3A_119, %add3A_120 : i32
      %dma_start3A_122 = arith.constant 0 : i32
      %dma_start3A_123 = arith.constant 0 : i32
      %dma_start3A_124 = tpu.memref_slice %arg6[%dma_start3A_122, %dma_start3A_123] : memref<400x64xf32, #tpu.memory_space<vmem>> -> memref<200x64xf32, #tpu.memory_space<vmem>>
      %dma_start3A_125 = arith.constant 0 : i32
      %dma_start3A_126 = arith.constant 0 : i32
      %dma_start3A_127 = tpu.memref_slice %arg4[%add3A_121, %dma_start3A_125, %dma_start3A_126] : memref<4096x200x64xf32, #tpu.memory_space<hbm>> -> memref<1x200x64xf32, #tpu.memory_space<hbm>>
      %dma_start3A_128 = tpu.memref_squeeze %dma_start3A_127 : memref<1x200x64xf32, #tpu.memory_space<hbm>> -> memref<200x64xf32, #tpu.memory_space<hbm>>
      %dma_start3A_129 = arith.constant 0 : i32
      %dma_start3A_130 = arith.constant 0 : i32
      %dma_start3A_131 = tpu.memref_slice %arg4[%add3A_121, %dma_start3A_129, %dma_start3A_130] : memref<4096x200x64xf32, #tpu.memory_space<hbm>> -> memref<1x200x64xf32, #tpu.memory_space<hbm>>
      %dma_start3A_132 = tpu.memref_squeeze %dma_start3A_131 : memref<1x200x64xf32, #tpu.memory_space<hbm>> -> memref<200x64xf32, #tpu.memory_space<hbm>>
      %dma_start3A_133 = arith.constant 0 : i32
      %dma_start3A_134 = arith.constant 0 : i32
      %dma_start3A_135 = tpu.memref_slice %arg6[%dma_start3A_133, %dma_start3A_134] : memref<400x64xf32, #tpu.memory_space<vmem>> -> memref<200x64xf32, #tpu.memory_space<vmem>>
      tpu.enqueue_dma source(%dma_start3A_135 : memref<200x64xf32, #tpu.memory_space<vmem>>) target(%dma_start3A_132 : memref<200x64xf32, #tpu.memory_space<hbm>>) target_semaphore(%arg10 : memref<!tpu.dma_semaphore, #tpu.memory_space<semaphore_mem>>)
      %mul3A_136 = arith.constant 2 : i32
      %mul3A_137 = arith.muli %mul3A_86, %mul3A_136 : i32
      %add3A_138 = arith.addi %mul3A_4, %mul3A_137 : i32
      %add3A_139 = arith.constant 1 : i32
      %add3A_140 = arith.addi %add3A_138, %add3A_139 : i32
      %dma_start3A_141 = arith.constant 200 : i32
      %dma_start3A_142 = arith.constant 0 : i32
      %dma_start3A_143 = tpu.memref_slice %arg6[%dma_start3A_141, %dma_start3A_142] : memref<400x64xf32, #tpu.memory_space<vmem>> -> memref<200x64xf32, #tpu.memory_space<vmem>>
      %dma_start3A_144 = arith.constant 0 : i32
      %dma_start3A_145 = arith.constant 0 : i32
      %dma_start3A_146 = tpu.memref_slice %arg4[%add3A_140, %dma_start3A_144, %dma_start3A_145] : memref<4096x200x64xf32, #tpu.memory_space<hbm>> -> memref<1x200x64xf32, #tpu.memory_space<hbm>>
      %dma_start3A_147 = tpu.memref_squeeze %dma_start3A_146 : memref<1x200x64xf32, #tpu.memory_space<hbm>> -> memref<200x64xf32, #tpu.memory_space<hbm>>
      %dma_start3A_148 = arith.constant 0 : i32
      %dma_start3A_149 = arith.constant 0 : i32
      %dma_start3A_150 = tpu.memref_slice %arg4[%add3A_140, %dma_start3A_148, %dma_start3A_149] : memref<4096x200x64xf32, #tpu.memory_space<hbm>> -> memref<1x200x64xf32, #tpu.memory_space<hbm>>
      %dma_start3A_151 = tpu.memref_squeeze %dma_start3A_150 : memref<1x200x64xf32, #tpu.memory_space<hbm>> -> memref<200x64xf32, #tpu.memory_space<hbm>>
      %dma_start3A_152 = arith.constant 200 : i32
      %dma_start3A_153 = arith.constant 0 : i32
      %dma_start3A_154 = tpu.memref_slice %arg6[%dma_start3A_152, %dma_start3A_153] : memref<400x64xf32, #tpu.memory_space<vmem>> -> memref<200x64xf32, #tpu.memory_space<vmem>>
      tpu.enqueue_dma source(%dma_start3A_154 : memref<200x64xf32, #tpu.memory_space<vmem>>) target(%dma_start3A_151 : memref<200x64xf32, #tpu.memory_space<hbm>>) target_semaphore(%arg10 : memref<!tpu.dma_semaphore, #tpu.memory_space<semaphore_mem>>)
      %gt3A = arith.constant 0 : i32
      %gt3A_155 = arith.cmpi sgt, %scan3A_84, %gt3A : i32
      %convert_element_type3A = arith.extui %gt3A_155 : i1 to i32
      %cond3A = arith.constant 0 : i32
      %cond3A_156 = arith.cmpi ne, %convert_element_type3A, %cond3A : i32
      scf.if %cond3A_156 {
        %sub3A = arith.constant 1 : i32
        %sub3A_320 = arith.subi %mul3A_86, %sub3A : i32
        %mul3A_321 = arith.constant 2 : i32
        %mul3A_322 = arith.muli %sub3A_320, %mul3A_321 : i32
        %add3A_323 = arith.addi %mul3A_4, %mul3A_322 : i32
        %add3A_324 = arith.constant 0 : i32
        %add3A_325 = arith.addi %add3A_323, %add3A_324 : i32
        %dma_wait3A_326 = arith.constant 0 : i32
        %dma_wait3A_327 = arith.constant 0 : i32
        %dma_wait3A_328 = tpu.memref_slice %arg7[%dma_wait3A_326, %dma_wait3A_327] : memref<400x64xf32, #tpu.memory_space<vmem>> -> memref<200x64xf32, #tpu.memory_space<vmem>>
        %dma_wait3A_329 = arith.constant 0 : i32
        %dma_wait3A_330 = arith.constant 0 : i32
        %dma_wait3A_331 = tpu.memref_slice %arg4[%add3A_325, %dma_wait3A_329, %dma_wait3A_330] : memref<4096x200x64xf32, #tpu.memory_space<hbm>> -> memref<1x200x64xf32, #tpu.memory_space<hbm>>
        %dma_wait3A_332 = tpu.memref_squeeze %dma_wait3A_331 : memref<1x200x64xf32, #tpu.memory_space<hbm>> -> memref<200x64xf32, #tpu.memory_space<hbm>>
        %dma_wait3A_333 = arith.constant 0 : i32
        %dma_wait3A_334 = arith.constant 0 : i32
        %dma_wait3A_335 = tpu.memref_slice %arg4[%add3A_325, %dma_wait3A_333, %dma_wait3A_334] : memref<4096x200x64xf32, #tpu.memory_space<hbm>> -> memref<1x200x64xf32, #tpu.memory_space<hbm>>
        %dma_wait3A_336 = tpu.memref_squeeze %dma_wait3A_335 : memref<1x200x64xf32, #tpu.memory_space<hbm>> -> memref<200x64xf32, #tpu.memory_space<hbm>>
        %dma_wait3A_337 = arith.constant 0 : i32
        %dma_wait3A_338 = arith.constant 0 : i32
        %dma_wait3A_339 = tpu.memref_slice %arg7[%dma_wait3A_337, %dma_wait3A_338] : memref<400x64xf32, #tpu.memory_space<vmem>> -> memref<200x64xf32, #tpu.memory_space<vmem>>
        tpu.wait_dma2 semaphore(%arg11 : memref<!tpu.dma_semaphore, #tpu.memory_space<semaphore_mem>>) src(%dma_wait3A_339 : memref<200x64xf32, #tpu.memory_space<vmem>>) dst(%dma_wait3A_336 : memref<200x64xf32, #tpu.memory_space<hbm>>)
        %mul3A_340 = arith.constant 2 : i32
        %mul3A_341 = arith.muli %sub3A_320, %mul3A_340 : i32
        %add3A_342 = arith.addi %mul3A_4, %mul3A_341 : i32
        %add3A_343 = arith.constant 1 : i32
        %add3A_344 = arith.addi %add3A_342, %add3A_343 : i32
        %dma_wait3A_345 = arith.constant 200 : i32
        %dma_wait3A_346 = arith.constant 0 : i32
        %dma_wait3A_347 = tpu.memref_slice %arg7[%dma_wait3A_345, %dma_wait3A_346] : memref<400x64xf32, #tpu.memory_space<vmem>> -> memref<200x64xf32, #tpu.memory_space<vmem>>
        %dma_wait3A_348 = arith.constant 0 : i32
        %dma_wait3A_349 = arith.constant 0 : i32
        %dma_wait3A_350 = tpu.memref_slice %arg4[%add3A_344, %dma_wait3A_348, %dma_wait3A_349] : memref<4096x200x64xf32, #tpu.memory_space<hbm>> -> memref<1x200x64xf32, #tpu.memory_space<hbm>>
        %dma_wait3A_351 = tpu.memref_squeeze %dma_wait3A_350 : memref<1x200x64xf32, #tpu.memory_space<hbm>> -> memref<200x64xf32, #tpu.memory_space<hbm>>
        %dma_wait3A_352 = arith.constant 0 : i32
        %dma_wait3A_353 = arith.constant 0 : i32
        %dma_wait3A_354 = tpu.memref_slice %arg4[%add3A_344, %dma_wait3A_352, %dma_wait3A_353] : memref<4096x200x64xf32, #tpu.memory_space<hbm>> -> memref<1x200x64xf32, #tpu.memory_space<hbm>>
        %dma_wait3A_355 = tpu.memref_squeeze %dma_wait3A_354 : memref<1x200x64xf32, #tpu.memory_space<hbm>> -> memref<200x64xf32, #tpu.memory_space<hbm>>
        %dma_wait3A_356 = arith.constant 200 : i32
        %dma_wait3A_357 = arith.constant 0 : i32
        %dma_wait3A_358 = tpu.memref_slice %arg7[%dma_wait3A_356, %dma_wait3A_357] : memref<400x64xf32, #tpu.memory_space<vmem>> -> memref<200x64xf32, #tpu.memory_space<vmem>>
        tpu.wait_dma2 semaphore(%arg11 : memref<!tpu.dma_semaphore, #tpu.memory_space<semaphore_mem>>) src(%dma_wait3A_358 : memref<200x64xf32, #tpu.memory_space<vmem>>) dst(%dma_wait3A_355 : memref<200x64xf32, #tpu.memory_space<hbm>>)
      } else {
      }
      %mul3A_157 = arith.constant 400 : i32
      %mul3A_158 = arith.muli %add3A_88, %mul3A_157 : i32
      %add3A_159 = arith.constant 0 : i32
      %add3A_160 = arith.addi %mul3A_158, %add3A_159 : i32
      %dma_start3A_161 = arith.constant 0 : i32
      %dma_start3A_162 = arith.constant 0 : i32
      %dma_start3A_163 = tpu.memref_slice %arg7[%dma_start3A_161, %dma_start3A_162] : memref<400x64xf32, #tpu.memory_space<vmem>> -> memref<80x64xf32, #tpu.memory_space<vmem>>
      %dma_start3A_164 = tpu.memref_slice %arg5[%add3A_160] : memref<25600xi32, #tpu.memory_space<vmem>> -> memref<80xi32, #tpu.memory_space<vmem>>
      %dma_start3A_165 = arith.constant 0 : i32
      %dma_start3A_166 = arith.constant 0 : i32
      %dma_start3A_167 = tpu.memref_slice %arg2[%dma_start3A_165, %dma_start3A_166] : memref<1000000x64xf32, #tpu.memory_space<hbm>> -> memref<1000000x64xf32, #tpu.memory_space<hbm>>
      tpu.enqueue_indirect_dma source(%dma_start3A_167 : memref<1000000x64xf32, #tpu.memory_space<hbm>>) target(%dma_start3A_163 : memref<80x64xf32, #tpu.memory_space<vmem>>) offsets(%dma_start3A_164 : memref<80xi32, #tpu.memory_space<vmem>>) semaphore(%arg9 : memref<!tpu.dma_semaphore, #tpu.memory_space<semaphore_mem>>)
      %mul3A_168 = arith.constant 400 : i32
      %mul3A_169 = arith.muli %add3A_88, %mul3A_168 : i32
      %add3A_170 = arith.constant 80 : i32
      %add3A_171 = arith.addi %mul3A_169, %add3A_170 : i32
      %dma_start3A_172 = arith.constant 80 : i32
      %dma_start3A_173 = arith.constant 0 : i32
      %dma_start3A_174 = tpu.memref_slice %arg7[%dma_start3A_172, %dma_start3A_173] : memref<400x64xf32, #tpu.memory_space<vmem>> -> memref<80x64xf32, #tpu.memory_space<vmem>>
      %dma_start3A_175 = tpu.memref_slice %arg5[%add3A_171] : memref<25600xi32, #tpu.memory_space<vmem>> -> memref<80xi32, #tpu.memory_space<vmem>>
      %dma_start3A_176 = arith.constant 0 : i32
      %dma_start3A_177 = arith.constant 0 : i32
      %dma_start3A_178 = tpu.memref_slice %arg2[%dma_start3A_176, %dma_start3A_177] : memref<1000000x64xf32, #tpu.memory_space<hbm>> -> memref<1000000x64xf32, #tpu.memory_space<hbm>>
      tpu.enqueue_indirect_dma source(%dma_start3A_178 : memref<1000000x64xf32, #tpu.memory_space<hbm>>) target(%dma_start3A_174 : memref<80x64xf32, #tpu.memory_space<vmem>>) offsets(%dma_start3A_175 : memref<80xi32, #tpu.memory_space<vmem>>) semaphore(%arg9 : memref<!tpu.dma_semaphore, #tpu.memory_space<semaphore_mem>>)
      %mul3A_179 = arith.constant 400 : i32
      %mul3A_180 = arith.muli %add3A_88, %mul3A_179 : i32
      %add3A_181 = arith.constant 160 : i32
      %add3A_182 = arith.addi %mul3A_180, %add3A_181 : i32
      %dma_start3A_183 = arith.constant 160 : i32
      %dma_start3A_184 = arith.constant 0 : i32
      %dma_start3A_185 = tpu.memref_slice %arg7[%dma_start3A_183, %dma_start3A_184] : memref<400x64xf32, #tpu.memory_space<vmem>> -> memref<80x64xf32, #tpu.memory_space<vmem>>
      %dma_start3A_186 = tpu.memref_slice %arg5[%add3A_182] : memref<25600xi32, #tpu.memory_space<vmem>> -> memref<80xi32, #tpu.memory_space<vmem>>
      %dma_start3A_187 = arith.constant 0 : i32
      %dma_start3A_188 = arith.constant 0 : i32
      %dma_start3A_189 = tpu.memref_slice %arg2[%dma_start3A_187, %dma_start3A_188] : memref<1000000x64xf32, #tpu.memory_space<hbm>> -> memref<1000000x64xf32, #tpu.memory_space<hbm>>
      tpu.enqueue_indirect_dma source(%dma_start3A_189 : memref<1000000x64xf32, #tpu.memory_space<hbm>>) target(%dma_start3A_185 : memref<80x64xf32, #tpu.memory_space<vmem>>) offsets(%dma_start3A_186 : memref<80xi32, #tpu.memory_space<vmem>>) semaphore(%arg9 : memref<!tpu.dma_semaphore, #tpu.memory_space<semaphore_mem>>)
      %mul3A_190 = arith.constant 400 : i32
      %mul3A_191 = arith.muli %add3A_88, %mul3A_190 : i32
      %add3A_192 = arith.constant 240 : i32
      %add3A_193 = arith.addi %mul3A_191, %add3A_192 : i32
      %dma_start3A_194 = arith.constant 240 : i32
      %dma_start3A_195 = arith.constant 0 : i32
      %dma_start3A_196 = tpu.memref_slice %arg7[%dma_start3A_194, %dma_start3A_195] : memref<400x64xf32, #tpu.memory_space<vmem>> -> memref<80x64xf32, #tpu.memory_space<vmem>>
      %dma_start3A_197 = tpu.memref_slice %arg5[%add3A_193] : memref<25600xi32, #tpu.memory_space<vmem>> -> memref<80xi32, #tpu.memory_space<vmem>>
      %dma_start3A_198 = arith.constant 0 : i32
      %dma_start3A_199 = arith.constant 0 : i32
      %dma_start3A_200 = tpu.memref_slice %arg2[%dma_start3A_198, %dma_start3A_199] : memref<1000000x64xf32, #tpu.memory_space<hbm>> -> memref<1000000x64xf32, #tpu.memory_space<hbm>>
      tpu.enqueue_indirect_dma source(%dma_start3A_200 : memref<1000000x64xf32, #tpu.memory_space<hbm>>) target(%dma_start3A_196 : memref<80x64xf32, #tpu.memory_space<vmem>>) offsets(%dma_start3A_197 : memref<80xi32, #tpu.memory_space<vmem>>) semaphore(%arg9 : memref<!tpu.dma_semaphore, #tpu.memory_space<semaphore_mem>>)
      %mul3A_201 = arith.constant 400 : i32
      %mul3A_202 = arith.muli %add3A_88, %mul3A_201 : i32
      %add3A_203 = arith.constant 320 : i32
      %add3A_204 = arith.addi %mul3A_202, %add3A_203 : i32
      %dma_start3A_205 = arith.constant 320 : i32
      %dma_start3A_206 = arith.constant 0 : i32
      %dma_start3A_207 = tpu.memref_slice %arg7[%dma_start3A_205, %dma_start3A_206] : memref<400x64xf32, #tpu.memory_space<vmem>> -> memref<80x64xf32, #tpu.memory_space<vmem>>
      %dma_start3A_208 = tpu.memref_slice %arg5[%add3A_204] : memref<25600xi32, #tpu.memory_space<vmem>> -> memref<80xi32, #tpu.memory_space<vmem>>
      %dma_start3A_209 = arith.constant 0 : i32
      %dma_start3A_210 = arith.constant 0 : i32
      %dma_start3A_211 = tpu.memref_slice %arg2[%dma_start3A_209, %dma_start3A_210] : memref<1000000x64xf32, #tpu.memory_space<hbm>> -> memref<1000000x64xf32, #tpu.memory_space<hbm>>
      tpu.enqueue_indirect_dma source(%dma_start3A_211 : memref<1000000x64xf32, #tpu.memory_space<hbm>>) target(%dma_start3A_207 : memref<80x64xf32, #tpu.memory_space<vmem>>) offsets(%dma_start3A_208 : memref<80xi32, #tpu.memory_space<vmem>>) semaphore(%arg9 : memref<!tpu.dma_semaphore, #tpu.memory_space<semaphore_mem>>)
      %dma_wait3A_212 = arith.constant 0 : i32
      %dma_wait3A_213 = arith.constant 0 : i32
      %dma_wait3A_214 = tpu.memref_slice %arg7[%dma_wait3A_212, %dma_wait3A_213] : memref<400x64xf32, #tpu.memory_space<vmem>> -> memref<200x64xf32, #tpu.memory_space<vmem>>
      %dma_wait3A_215 = arith.constant 0 : i32
      %dma_wait3A_216 = arith.constant 0 : i32
      %dma_wait3A_217 = tpu.memref_slice %arg4[%mul3A_4, %dma_wait3A_215, %dma_wait3A_216] : memref<4096x200x64xf32, #tpu.memory_space<hbm>> -> memref<1x200x64xf32, #tpu.memory_space<hbm>>
      %dma_wait3A_218 = tpu.memref_squeeze %dma_wait3A_217 : memref<1x200x64xf32, #tpu.memory_space<hbm>> -> memref<200x64xf32, #tpu.memory_space<hbm>>
      %dma_wait3A_219 = arith.constant 0 : i32
      %dma_wait3A_220 = arith.constant 0 : i32
      %dma_wait3A_221 = tpu.memref_slice %arg7[%dma_wait3A_219, %dma_wait3A_220] : memref<400x64xf32, #tpu.memory_space<vmem>> -> memref<200x64xf32, #tpu.memory_space<vmem>>
      %dma_wait3A_222 = arith.constant 0 : i32
      %dma_wait3A_223 = arith.constant 0 : i32
      %dma_wait3A_224 = tpu.memref_slice %arg4[%mul3A_4, %dma_wait3A_222, %dma_wait3A_223] : memref<4096x200x64xf32, #tpu.memory_space<hbm>> -> memref<1x200x64xf32, #tpu.memory_space<hbm>>
      %dma_wait3A_225 = tpu.memref_squeeze %dma_wait3A_224 : memref<1x200x64xf32, #tpu.memory_space<hbm>> -> memref<200x64xf32, #tpu.memory_space<hbm>>
      tpu.wait_dma2 semaphore(%arg9 : memref<!tpu.dma_semaphore, #tpu.memory_space<semaphore_mem>>) src(%dma_wait3A_225 : memref<200x64xf32, #tpu.memory_space<hbm>>) dst(%dma_wait3A_221 : memref<200x64xf32, #tpu.memory_space<vmem>>)
      %dma_wait3A_226 = arith.constant 200 : i32
      %dma_wait3A_227 = arith.constant 0 : i32
      %dma_wait3A_228 = tpu.memref_slice %arg7[%dma_wait3A_226, %dma_wait3A_227] : memref<400x64xf32, #tpu.memory_space<vmem>> -> memref<200x64xf32, #tpu.memory_space<vmem>>
      %dma_wait3A_229 = arith.constant 0 : i32
      %dma_wait3A_230 = arith.constant 0 : i32
      %dma_wait3A_231 = tpu.memref_slice %arg4[%mul3A_4, %dma_wait3A_229, %dma_wait3A_230] : memref<4096x200x64xf32, #tpu.memory_space<hbm>> -> memref<1x200x64xf32, #tpu.memory_space<hbm>>
      %dma_wait3A_232 = tpu.memref_squeeze %dma_wait3A_231 : memref<1x200x64xf32, #tpu.memory_space<hbm>> -> memref<200x64xf32, #tpu.memory_space<hbm>>
      %dma_wait3A_233 = arith.constant 200 : i32
      %dma_wait3A_234 = arith.constant 0 : i32
      %dma_wait3A_235 = tpu.memref_slice %arg7[%dma_wait3A_233, %dma_wait3A_234] : memref<400x64xf32, #tpu.memory_space<vmem>> -> memref<200x64xf32, #tpu.memory_space<vmem>>
      %dma_wait3A_236 = arith.constant 0 : i32
      %dma_wait3A_237 = arith.constant 0 : i32
      %dma_wait3A_238 = tpu.memref_slice %arg4[%mul3A_4, %dma_wait3A_236, %dma_wait3A_237] : memref<4096x200x64xf32, #tpu.memory_space<hbm>> -> memref<1x200x64xf32, #tpu.memory_space<hbm>>
      %dma_wait3A_239 = tpu.memref_squeeze %dma_wait3A_238 : memref<1x200x64xf32, #tpu.memory_space<hbm>> -> memref<200x64xf32, #tpu.memory_space<hbm>>
      tpu.wait_dma2 semaphore(%arg9 : memref<!tpu.dma_semaphore, #tpu.memory_space<semaphore_mem>>) src(%dma_wait3A_239 : memref<200x64xf32, #tpu.memory_space<hbm>>) dst(%dma_wait3A_235 : memref<200x64xf32, #tpu.memory_space<vmem>>)
      %mul3A_240 = arith.constant 2 : i32
      %mul3A_241 = arith.muli %add3A_88, %mul3A_240 : i32
      %add3A_242 = arith.addi %mul3A_4, %mul3A_241 : i32
      %add3A_243 = arith.constant 0 : i32
      %add3A_244 = arith.addi %add3A_242, %add3A_243 : i32
      %dma_start3A_245 = arith.constant 0 : i32
      %dma_start3A_246 = arith.constant 0 : i32
      %dma_start3A_247 = tpu.memref_slice %arg7[%dma_start3A_245, %dma_start3A_246] : memref<400x64xf32, #tpu.memory_space<vmem>> -> memref<200x64xf32, #tpu.memory_space<vmem>>
      %dma_start3A_248 = arith.constant 0 : i32
      %dma_start3A_249 = arith.constant 0 : i32
      %dma_start3A_250 = tpu.memref_slice %arg4[%add3A_244, %dma_start3A_248, %dma_start3A_249] : memref<4096x200x64xf32, #tpu.memory_space<hbm>> -> memref<1x200x64xf32, #tpu.memory_space<hbm>>
      %dma_start3A_251 = tpu.memref_squeeze %dma_start3A_250 : memref<1x200x64xf32, #tpu.memory_space<hbm>> -> memref<200x64xf32, #tpu.memory_space<hbm>>
      %dma_start3A_252 = arith.constant 0 : i32
      %dma_start3A_253 = arith.constant 0 : i32
      %dma_start3A_254 = tpu.memref_slice %arg4[%add3A_244, %dma_start3A_252, %dma_start3A_253] : memref<4096x200x64xf32, #tpu.memory_space<hbm>> -> memref<1x200x64xf32, #tpu.memory_space<hbm>>
      %dma_start3A_255 = tpu.memref_squeeze %dma_start3A_254 : memref<1x200x64xf32, #tpu.memory_space<hbm>> -> memref<200x64xf32, #tpu.memory_space<hbm>>
      %dma_start3A_256 = arith.constant 0 : i32
      %dma_start3A_257 = arith.constant 0 : i32
      %dma_start3A_258 = tpu.memref_slice %arg7[%dma_start3A_256, %dma_start3A_257] : memref<400x64xf32, #tpu.memory_space<vmem>> -> memref<200x64xf32, #tpu.memory_space<vmem>>
      tpu.enqueue_dma source(%dma_start3A_258 : memref<200x64xf32, #tpu.memory_space<vmem>>) target(%dma_start3A_255 : memref<200x64xf32, #tpu.memory_space<hbm>>) target_semaphore(%arg11 : memref<!tpu.dma_semaphore, #tpu.memory_space<semaphore_mem>>)
      %mul3A_259 = arith.constant 2 : i32
      %mul3A_260 = arith.muli %add3A_88, %mul3A_259 : i32
      %add3A_261 = arith.addi %mul3A_4, %mul3A_260 : i32
      %add3A_262 = arith.constant 1 : i32
      %add3A_263 = arith.addi %add3A_261, %add3A_262 : i32
      %dma_start3A_264 = arith.constant 200 : i32
      %dma_start3A_265 = arith.constant 0 : i32
      %dma_start3A_266 = tpu.memref_slice %arg7[%dma_start3A_264, %dma_start3A_265] : memref<400x64xf32, #tpu.memory_space<vmem>> -> memref<200x64xf32, #tpu.memory_space<vmem>>
      %dma_start3A_267 = arith.constant 0 : i32
      %dma_start3A_268 = arith.constant 0 : i32
      %dma_start3A_269 = tpu.memref_slice %arg4[%add3A_263, %dma_start3A_267, %dma_start3A_268] : memref<4096x200x64xf32, #tpu.memory_space<hbm>> -> memref<1x200x64xf32, #tpu.memory_space<hbm>>
      %dma_start3A_270 = tpu.memref_squeeze %dma_start3A_269 : memref<1x200x64xf32, #tpu.memory_space<hbm>> -> memref<200x64xf32, #tpu.memory_space<hbm>>
      %dma_start3A_271 = arith.constant 0 : i32
      %dma_start3A_272 = arith.constant 0 : i32
      %dma_start3A_273 = tpu.memref_slice %arg4[%add3A_263, %dma_start3A_271, %dma_start3A_272] : memref<4096x200x64xf32, #tpu.memory_space<hbm>> -> memref<1x200x64xf32, #tpu.memory_space<hbm>>
      %dma_start3A_274 = tpu.memref_squeeze %dma_start3A_273 : memref<1x200x64xf32, #tpu.memory_space<hbm>> -> memref<200x64xf32, #tpu.memory_space<hbm>>
      %dma_start3A_275 = arith.constant 200 : i32
      %dma_start3A_276 = arith.constant 0 : i32
      %dma_start3A_277 = tpu.memref_slice %arg7[%dma_start3A_275, %dma_start3A_276] : memref<400x64xf32, #tpu.memory_space<vmem>> -> memref<200x64xf32, #tpu.memory_space<vmem>>
      tpu.enqueue_dma source(%dma_start3A_277 : memref<200x64xf32, #tpu.memory_space<vmem>>) target(%dma_start3A_274 : memref<200x64xf32, #tpu.memory_space<hbm>>) target_semaphore(%arg11 : memref<!tpu.dma_semaphore, #tpu.memory_space<semaphore_mem>>)
      %mul3A_278 = arith.constant 2 : i32
      %mul3A_279 = arith.muli %mul3A_86, %mul3A_278 : i32
      %add3A_280 = arith.addi %mul3A_4, %mul3A_279 : i32
      %add3A_281 = arith.constant 0 : i32
      %add3A_282 = arith.addi %add3A_280, %add3A_281 : i32
      %dma_wait3A_283 = arith.constant 0 : i32
      %dma_wait3A_284 = arith.constant 0 : i32
      %dma_wait3A_285 = tpu.memref_slice %arg6[%dma_wait3A_283, %dma_wait3A_284] : memref<400x64xf32, #tpu.memory_space<vmem>> -> memref<200x64xf32, #tpu.memory_space<vmem>>
      %dma_wait3A_286 = arith.constant 0 : i32
      %dma_wait3A_287 = arith.constant 0 : i32
      %dma_wait3A_288 = tpu.memref_slice %arg4[%add3A_282, %dma_wait3A_286, %dma_wait3A_287] : memref<4096x200x64xf32, #tpu.memory_space<hbm>> -> memref<1x200x64xf32, #tpu.memory_space<hbm>>
      %dma_wait3A_289 = tpu.memref_squeeze %dma_wait3A_288 : memref<1x200x64xf32, #tpu.memory_space<hbm>> -> memref<200x64xf32, #tpu.memory_space<hbm>>
      %dma_wait3A_290 = arith.constant 0 : i32
      %dma_wait3A_291 = arith.constant 0 : i32
      %dma_wait3A_292 = tpu.memref_slice %arg4[%add3A_282, %dma_wait3A_290, %dma_wait3A_291] : memref<4096x200x64xf32, #tpu.memory_space<hbm>> -> memref<1x200x64xf32, #tpu.memory_space<hbm>>
      %dma_wait3A_293 = tpu.memref_squeeze %dma_wait3A_292 : memref<1x200x64xf32, #tpu.memory_space<hbm>> -> memref<200x64xf32, #tpu.memory_space<hbm>>
      %dma_wait3A_294 = arith.constant 0 : i32
      %dma_wait3A_295 = arith.constant 0 : i32
      %dma_wait3A_296 = tpu.memref_slice %arg6[%dma_wait3A_294, %dma_wait3A_295] : memref<400x64xf32, #tpu.memory_space<vmem>> -> memref<200x64xf32, #tpu.memory_space<vmem>>
      tpu.wait_dma2 semaphore(%arg10 : memref<!tpu.dma_semaphore, #tpu.memory_space<semaphore_mem>>) src(%dma_wait3A_296 : memref<200x64xf32, #tpu.memory_space<vmem>>) dst(%dma_wait3A_293 : memref<200x64xf32, #tpu.memory_space<hbm>>)
      %mul3A_297 = arith.constant 2 : i32
      %mul3A_298 = arith.muli %mul3A_86, %mul3A_297 : i32
      %add3A_299 = arith.addi %mul3A_4, %mul3A_298 : i32
      %add3A_300 = arith.constant 1 : i32
      %add3A_301 = arith.addi %add3A_299, %add3A_300 : i32
      %dma_wait3A_302 = arith.constant 200 : i32
      %dma_wait3A_303 = arith.constant 0 : i32
      %dma_wait3A_304 = tpu.memref_slice %arg6[%dma_wait3A_302, %dma_wait3A_303] : memref<400x64xf32, #tpu.memory_space<vmem>> -> memref<200x64xf32, #tpu.memory_space<vmem>>
      %dma_wait3A_305 = arith.constant 0 : i32
      %dma_wait3A_306 = arith.constant 0 : i32
      %dma_wait3A_307 = tpu.memref_slice %arg4[%add3A_301, %dma_wait3A_305, %dma_wait3A_306] : memref<4096x200x64xf32, #tpu.memory_space<hbm>> -> memref<1x200x64xf32, #tpu.memory_space<hbm>>
      %dma_wait3A_308 = tpu.memref_squeeze %dma_wait3A_307 : memref<1x200x64xf32, #tpu.memory_space<hbm>> -> memref<200x64xf32, #tpu.memory_space<hbm>>
      %dma_wait3A_309 = arith.constant 0 : i32
      %dma_wait3A_310 = arith.constant 0 : i32
      %dma_wait3A_311 = tpu.memref_slice %arg4[%add3A_301, %dma_wait3A_309, %dma_wait3A_310] : memref<4096x200x64xf32, #tpu.memory_space<hbm>> -> memref<1x200x64xf32, #tpu.memory_space<hbm>>
      %dma_wait3A_312 = tpu.memref_squeeze %dma_wait3A_311 : memref<1x200x64xf32, #tpu.memory_space<hbm>> -> memref<200x64xf32, #tpu.memory_space<hbm>>
      %dma_wait3A_313 = arith.constant 200 : i32
      %dma_wait3A_314 = arith.constant 0 : i32
      %dma_wait3A_315 = tpu.memref_slice %arg6[%dma_wait3A_313, %dma_wait3A_314] : memref<400x64xf32, #tpu.memory_space<vmem>> -> memref<200x64xf32, #tpu.memory_space<vmem>>
      tpu.wait_dma2 semaphore(%arg10 : memref<!tpu.dma_semaphore, #tpu.memory_space<semaphore_mem>>) src(%dma_wait3A_315 : memref<200x64xf32, #tpu.memory_space<vmem>>) dst(%dma_wait3A_312 : memref<200x64xf32, #tpu.memory_space<hbm>>)
      %lt3A = arith.constant 31 : i32
      %lt3A_316 = arith.cmpi slt, %scan3A_84, %lt3A : i32
      %convert_element_type3A_317 = arith.extui %lt3A_316 : i1 to i32
      %cond3A_318 = arith.constant 0 : i32
      %cond3A_319 = arith.cmpi ne, %convert_element_type3A_317, %cond3A_318 : i32
      scf.if %cond3A_319 {
        %add3A_320 = arith.constant 1 : i32
        %add3A_321 = arith.addi %add3A_88, %add3A_320 : i32
        %mul3A_322 = arith.constant 400 : i32
        %mul3A_323 = arith.muli %add3A_321, %mul3A_322 : i32
        %add3A_324 = arith.constant 0 : i32
        %add3A_325 = arith.addi %mul3A_323, %add3A_324 : i32
        %dma_start3A_326 = arith.constant 0 : i32
        %dma_start3A_327 = arith.constant 0 : i32
        %dma_start3A_328 = tpu.memref_slice %arg6[%dma_start3A_326, %dma_start3A_327] : memref<400x64xf32, #tpu.memory_space<vmem>> -> memref<80x64xf32, #tpu.memory_space<vmem>>
        %dma_start3A_329 = tpu.memref_slice %arg5[%add3A_325] : memref<25600xi32, #tpu.memory_space<vmem>> -> memref<80xi32, #tpu.memory_space<vmem>>
        %dma_start3A_330 = arith.constant 0 : i32
        %dma_start3A_331 = arith.constant 0 : i32
        %dma_start3A_332 = tpu.memref_slice %arg2[%dma_start3A_330, %dma_start3A_331] : memref<1000000x64xf32, #tpu.memory_space<hbm>> -> memref<1000000x64xf32, #tpu.memory_space<hbm>>
        tpu.enqueue_indirect_dma source(%dma_start3A_332 : memref<1000000x64xf32, #tpu.memory_space<hbm>>) target(%dma_start3A_328 : memref<80x64xf32, #tpu.memory_space<vmem>>) offsets(%dma_start3A_329 : memref<80xi32, #tpu.memory_space<vmem>>) semaphore(%arg8 : memref<!tpu.dma_semaphore, #tpu.memory_space<semaphore_mem>>)
        %mul3A_333 = arith.constant 400 : i32
        %mul3A_334 = arith.muli %add3A_321, %mul3A_333 : i32
        %add3A_335 = arith.constant 80 : i32
        %add3A_336 = arith.addi %mul3A_334, %add3A_335 : i32
        %dma_start3A_337 = arith.constant 80 : i32
        %dma_start3A_338 = arith.constant 0 : i32
        %dma_start3A_339 = tpu.memref_slice %arg6[%dma_start3A_337, %dma_start3A_338] : memref<400x64xf32, #tpu.memory_space<vmem>> -> memref<80x64xf32, #tpu.memory_space<vmem>>
        %dma_start3A_340 = tpu.memref_slice %arg5[%add3A_336] : memref<25600xi32, #tpu.memory_space<vmem>> -> memref<80xi32, #tpu.memory_space<vmem>>
        %dma_start3A_341 = arith.constant 0 : i32
        %dma_start3A_342 = arith.constant 0 : i32
        %dma_start3A_343 = tpu.memref_slice %arg2[%dma_start3A_341, %dma_start3A_342] : memref<1000000x64xf32, #tpu.memory_space<hbm>> -> memref<1000000x64xf32, #tpu.memory_space<hbm>>
        tpu.enqueue_indirect_dma source(%dma_start3A_343 : memref<1000000x64xf32, #tpu.memory_space<hbm>>) target(%dma_start3A_339 : memref<80x64xf32, #tpu.memory_space<vmem>>) offsets(%dma_start3A_340 : memref<80xi32, #tpu.memory_space<vmem>>) semaphore(%arg8 : memref<!tpu.dma_semaphore, #tpu.memory_space<semaphore_mem>>)
        %mul3A_344 = arith.constant 400 : i32
        %mul3A_345 = arith.muli %add3A_321, %mul3A_344 : i32
        %add3A_346 = arith.constant 160 : i32
        %add3A_347 = arith.addi %mul3A_345, %add3A_346 : i32
        %dma_start3A_348 = arith.constant 160 : i32
        %dma_start3A_349 = arith.constant 0 : i32
        %dma_start3A_350 = tpu.memref_slice %arg6[%dma_start3A_348, %dma_start3A_349] : memref<400x64xf32, #tpu.memory_space<vmem>> -> memref<80x64xf32, #tpu.memory_space<vmem>>
        %dma_start3A_351 = tpu.memref_slice %arg5[%add3A_347] : memref<25600xi32, #tpu.memory_space<vmem>> -> memref<80xi32, #tpu.memory_space<vmem>>
        %dma_start3A_352 = arith.constant 0 : i32
        %dma_start3A_353 = arith.constant 0 : i32
        %dma_start3A_354 = tpu.memref_slice %arg2[%dma_start3A_352, %dma_start3A_353] : memref<1000000x64xf32, #tpu.memory_space<hbm>> -> memref<1000000x64xf32, #tpu.memory_space<hbm>>
        tpu.enqueue_indirect_dma source(%dma_start3A_354 : memref<1000000x64xf32, #tpu.memory_space<hbm>>) target(%dma_start3A_350 : memref<80x64xf32, #tpu.memory_space<vmem>>) offsets(%dma_start3A_351 : memref<80xi32, #tpu.memory_space<vmem>>) semaphore(%arg8 : memref<!tpu.dma_semaphore, #tpu.memory_space<semaphore_mem>>)
        %mul3A_355 = arith.constant 400 : i32
        %mul3A_356 = arith.muli %add3A_321, %mul3A_355 : i32
        %add3A_357 = arith.constant 240 : i32
        %add3A_358 = arith.addi %mul3A_356, %add3A_357 : i32
        %dma_start3A_359 = arith.constant 240 : i32
        %dma_start3A_360 = arith.constant 0 : i32
        %dma_start3A_361 = tpu.memref_slice %arg6[%dma_start3A_359, %dma_start3A_360] : memref<400x64xf32, #tpu.memory_space<vmem>> -> memref<80x64xf32, #tpu.memory_space<vmem>>
        %dma_start3A_362 = tpu.memref_slice %arg5[%add3A_358] : memref<25600xi32, #tpu.memory_space<vmem>> -> memref<80xi32, #tpu.memory_space<vmem>>
        %dma_start3A_363 = arith.constant 0 : i32
        %dma_start3A_364 = arith.constant 0 : i32
        %dma_start3A_365 = tpu.memref_slice %arg2[%dma_start3A_363, %dma_start3A_364] : memref<1000000x64xf32, #tpu.memory_space<hbm>> -> memref<1000000x64xf32, #tpu.memory_space<hbm>>
        tpu.enqueue_indirect_dma source(%dma_start3A_365 : memref<1000000x64xf32, #tpu.memory_space<hbm>>) target(%dma_start3A_361 : memref<80x64xf32, #tpu.memory_space<vmem>>) offsets(%dma_start3A_362 : memref<80xi32, #tpu.memory_space<vmem>>) semaphore(%arg8 : memref<!tpu.dma_semaphore, #tpu.memory_space<semaphore_mem>>)
        %mul3A_366 = arith.constant 400 : i32
        %mul3A_367 = arith.muli %add3A_321, %mul3A_366 : i32
        %add3A_368 = arith.constant 320 : i32
        %add3A_369 = arith.addi %mul3A_367, %add3A_368 : i32
        %dma_start3A_370 = arith.constant 320 : i32
        %dma_start3A_371 = arith.constant 0 : i32
        %dma_start3A_372 = tpu.memref_slice %arg6[%dma_start3A_370, %dma_start3A_371] : memref<400x64xf32, #tpu.memory_space<vmem>> -> memref<80x64xf32, #tpu.memory_space<vmem>>
        %dma_start3A_373 = tpu.memref_slice %arg5[%add3A_369] : memref<25600xi32, #tpu.memory_space<vmem>> -> memref<80xi32, #tpu.memory_space<vmem>>
        %dma_start3A_374 = arith.constant 0 : i32
        %dma_start3A_375 = arith.constant 0 : i32
        %dma_start3A_376 = tpu.memref_slice %arg2[%dma_start3A_374, %dma_start3A_375] : memref<1000000x64xf32, #tpu.memory_space<hbm>> -> memref<1000000x64xf32, #tpu.memory_space<hbm>>
        tpu.enqueue_indirect_dma source(%dma_start3A_376 : memref<1000000x64xf32, #tpu.memory_space<hbm>>) target(%dma_start3A_372 : memref<80x64xf32, #tpu.memory_space<vmem>>) offsets(%dma_start3A_373 : memref<80xi32, #tpu.memory_space<vmem>>) semaphore(%arg8 : memref<!tpu.dma_semaphore, #tpu.memory_space<semaphore_mem>>)
      } else {
      }
    }
    %scan3A_48 = arith.constant 32 : i32
    %add3A_49 = arith.constant 126 : i32
    %add3A_50 = arith.addi %mul3A_4, %add3A_49 : i32
    %add3A_51 = arith.constant 0 : i32
    %add3A_52 = arith.addi %add3A_50, %add3A_51 : i32
    %dma_wait3A = arith.constant 0 : i32
    %dma_wait3A_53 = arith.constant 0 : i32
    %dma_wait3A_54 = tpu.memref_slice %arg7[%dma_wait3A, %dma_wait3A_53] : memref<400x64xf32, #tpu.memory_space<vmem>> -> memref<200x64xf32, #tpu.memory_space<vmem>>
    %dma_wait3A_55 = arith.constant 0 : i32
    %dma_wait3A_56 = arith.constant 0 : i32
    %dma_wait3A_57 = tpu.memref_slice %arg4[%add3A_52, %dma_wait3A_55, %dma_wait3A_56] : memref<4096x200x64xf32, #tpu.memory_space<hbm>> -> memref<1x200x64xf32, #tpu.memory_space<hbm>>
    %dma_wait3A_58 = tpu.memref_squeeze %dma_wait3A_57 : memref<1x200x64xf32, #tpu.memory_space<hbm>> -> memref<200x64xf32, #tpu.memory_space<hbm>>
    %dma_wait3A_59 = arith.constant 0 : i32
    %dma_wait3A_60 = arith.constant 0 : i32
    %dma_wait3A_61 = tpu.memref_slice %arg4[%add3A_52, %dma_wait3A_59, %dma_wait3A_60] : memref<4096x200x64xf32, #tpu.memory_space<hbm>> -> memref<1x200x64xf32, #tpu.memory_space<hbm>>
    %dma_wait3A_62 = tpu.memref_squeeze %dma_wait3A_61 : memref<1x200x64xf32, #tpu.memory_space<hbm>> -> memref<200x64xf32, #tpu.memory_space<hbm>>
    %dma_wait3A_63 = arith.constant 0 : i32
    %dma_wait3A_64 = arith.constant 0 : i32
    %dma_wait3A_65 = tpu.memref_slice %arg7[%dma_wait3A_63, %dma_wait3A_64] : memref<400x64xf32, #tpu.memory_space<vmem>> -> memref<200x64xf32, #tpu.memory_space<vmem>>
    tpu.wait_dma2 semaphore(%arg11 : memref<!tpu.dma_semaphore, #tpu.memory_space<semaphore_mem>>) src(%dma_wait3A_65 : memref<200x64xf32, #tpu.memory_space<vmem>>) dst(%dma_wait3A_62 : memref<200x64xf32, #tpu.memory_space<hbm>>)
    %add3A_66 = arith.constant 126 : i32
    %add3A_67 = arith.addi %mul3A_4, %add3A_66 : i32
    %add3A_68 = arith.constant 1 : i32
    %add3A_69 = arith.addi %add3A_67, %add3A_68 : i32
    %dma_wait3A_70 = arith.constant 200 : i32
    %dma_wait3A_71 = arith.constant 0 : i32
    %dma_wait3A_72 = tpu.memref_slice %arg7[%dma_wait3A_70, %dma_wait3A_71] : memref<400x64xf32, #tpu.memory_space<vmem>> -> memref<200x64xf32, #tpu.memory_space<vmem>>
    %dma_wait3A_73 = arith.constant 0 : i32
    %dma_wait3A_74 = arith.constant 0 : i32
    %dma_wait3A_75 = tpu.memref_slice %arg4[%add3A_69, %dma_wait3A_73, %dma_wait3A_74] : memref<4096x200x64xf32, #tpu.memory_space<hbm>> -> memref<1x200x64xf32, #tpu.memory_space<hbm>>
    %dma_wait3A_76 = tpu.memref_squeeze %dma_wait3A_75 : memref<1x200x64xf32, #tpu.memory_space<hbm>> -> memref<200x64xf32, #tpu.memory_space<hbm>>
    %dma_wait3A_77 = arith.constant 0 : i32
    %dma_wait3A_78 = arith.constant 0 : i32
    %dma_wait3A_79 = tpu.memref_slice %arg4[%add3A_69, %dma_wait3A_77, %dma_wait3A_78] : memref<4096x200x64xf32, #tpu.memory_space<hbm>> -> memref<1x200x64xf32, #tpu.memory_space<hbm>>
    %dma_wait3A_80 = tpu.memref_squeeze %dma_wait3A_79 : memref<1x200x64xf32, #tpu.memory_space<hbm>> -> memref<200x64xf32, #tpu.memory_space<hbm>>
    %dma_wait3A_81 = arith.constant 200 : i32
    %dma_wait3A_82 = arith.constant 0 : i32
    %dma_wait3A_83 = tpu.memref_slice %arg7[%dma_wait3A_81, %dma_wait3A_82] : memref<400x64xf32, #tpu.memory_space<vmem>> -> memref<200x64xf32, #tpu.memory_space<vmem>>
    tpu.wait_dma2 semaphore(%arg11 : memref<!tpu.dma_semaphore, #tpu.memory_space<semaphore_mem>>) src(%dma_wait3A_83 : memref<200x64xf32, #tpu.memory_space<vmem>>) dst(%dma_wait3A_80 : memref<200x64xf32, #tpu.memory_space<hbm>>)
    return
  }
}

</mosaic_0001>

<sc_bundles>
// kernel: kernel.3.cloned.1.call-start
scs
__scs_entry_jumppad:
0x0: {  	(pc) =	sbr.rel $0x88, $3  }
0x1: {  	(tag) =	ssettag $0x0;
	lr =	simm.s32 $0x1  }
0x2: {  	[smem:$0x3F9F] =	sst lr;
	_ =	strace $0xD0000000  }
0x3: {  	_ = 	snop  }
0x4: {  	_ = 	snop  }
0x5: {  	_ = 	snop  }
0x6: {  	_ = 	snop  }
0x7: {  	_ = 	snop  }
__scs_overlays_trampoline_lowered:
0x8: {  	[smem:$0x3FAE] =	sst s0  }
0x9: {  	[smem:$0x3FAF] =	sst s1  }
0xa: {  	[smem:$0x3FB0] =	sst s2  }
0xb: {  	[smem:$0x3FB1] =	sst s3  }
0xc: {  	[smem:$0x3FB2] =	sst s4  }
0xd: {  	[smem:$0x3FB3] =	sst s5  }
0xe: {  	[smem:$0x3FB4] =	sst s6  }
0xf: {  	[smem:$0x3FB5] =	sst s7  }
0x10: {  	[smem:$0x3FB6] =	sst s8  }
0x11: {  	[smem:$0x3FB7] =	sst s9;
	s0 =	simm.s32 @!p0 $0x0  }
0x12: {  	s1 =	sld [smem:$0x3F9D];
	s0 =	simm.s32 @p0 $0x1  }
0x13: {  	[smem:$0x3FB8] =	sst s0;
	s0 =	simm.s32 @!p1 $0x0  }
0x14: {  	s2 =	sld [smem:$0x3F9C];
	s0 =	simm.s32 @p1 $0x1  }
0x15: {  	[smem:$0x3FB9] =	sst s0;
	s0 =	simm.s32 @!p2 $0x0  }
0x16: {  	s3 =	sld [smem:$0x3FDB];
	s0 =	simm.s32 @p2 $0x1  }
0x17: {  	s4 =	simm.s32 $0x1BF5;
	[smem:$0x3FBB] =	sst s0  }
0x18: {  	s0 =	sld [smem:$0x3F9E];
	_ =	swait.ge [sflag:s4], $0x0  }
0x19: {  	s7 =	sld [smem:$0x3F9F]  }
0x1a: {  	s8 =	sadd.s32 $0xFFFFE003, lr  }
0x1b: {  	s9 =	sadd.s32 $0xFFFFFEF7, lr;
	s5 =	simm.s32 $0xFFFFFFFF;
	p2 =	slt.u32 s8, $0xFFFFF086  }
0x1c: {  	p1 =	slt.u32 s9, $0xF7A;
	s5 =	simm.s32 @!p2 $0x0  }
0x1d: {  	s5 =	simm.s32 @p1 $0x1;
	p0 =	seq.s32 s7, s2  }
0x1e: {  	s7 =	smul.u32 @!p0 $0xF7A, s2;
	p2 =	seq.s32 @!p0 s5, $0x0  }
0x1f: {  	s9 =	smul.u32 $0xF7A, s1;
	s8 =	simm.s32 @!p0 $0x1BF5;
	p2 =	por !p2, p0  }
0x20: {  	[sflag:s8] =	ssyncset.s32 @!p0 $0xFFFFF086;
	s6 =	sadd.s32 @!p0 s3, s7;
	s7 =	simm.s32 @!p0 $0x108  }
0x21: {  	s3 =	sadd.s32 s3, s9;
	s6 =	sadd.s32 @!p0 $0x88, s6;
	s7 =	simm.s32 @p2 $0x1082  }
0x22: {  	[simem:s7], [sflag:s8] =	dma.local @!p0 [hbm:s6], $0xF7A  }
0x23: {  	s9 =	sor.u32 $0xD0000000, s2;
	s6 =	simm.s32 $0x108;
	_ =	swait.ge @!p0 [sflag:s8], $0x0  }
0x24: {  	s3 =	sadd.s32 $0x88, s3;
	s6 =	simm.s32 @!p1 $0x1082;
	[sflag:s4] =	ssyncset.s32 $0xFFFFF086  }
0x25: {  	[simem:s6], [sflag:s4] =	dma.local [hbm:s3], $0xF7A  }
0x26: {  	[smem:$0x3F9F] =	sst s1;
	(tag) =	ssettag s2;
	_ =	strace s9  }
0x27: {  	s1 =	sld [smem:$0x3FAF]  }
0x28: {  	s2 =	sld [smem:$0x3FB0]  }
0x29: {  	s4 =	sld [smem:$0x3FB2]  }
0x2a: {  	p0 =	seq.s32 s5, $0x0;
	s5 =	sld [smem:$0x3FB3]  }
0x2b: {  	s6 =	sld [smem:$0x3FB4]  }
0x2c: {  	s7 =	sld [smem:$0x3FB5]  }
0x2d: {  	s3 =	simm.s32 $0x108;
	s8 =	sld [smem:$0x3FB6]  }
0x2e: {  	s3 =	simm.s32 @!p0 $0x1082;
	s9 =	sld [smem:$0x3FB7]  }
0x2f: {  	lr =	sadd.s32 s0, s3;
	s0 =	sld [smem:$0x3FAE]  }
0x30: {  	s3 =	sld [smem:$0x3FB1]  }
0x31: {  	[smem:$0x3FBA] =	sst s10  }
0x32: {  	s10 =	sld [smem:$0x3FB8];
	_ =	sdelay $0x3  }
0x33: {  	p0 =	seq.s32 s10, $0x1;
	s10 =	sld [smem:$0x3FBA];
	_ =	sdelay $0x3  }
0x34: {  	[smem:$0x3FBA] =	sst s10  }
0x35: {  	s10 =	sld [smem:$0x3FB9];
	_ =	sdelay $0x3  }
0x36: {  	p1 =	seq.s32 s10, $0x1;
	s10 =	sld [smem:$0x3FBA];
	_ =	sdelay $0x3  }
0x37: {  	[smem:$0x3FBA] =	sst s10  }
0x38: {  	s10 =	sld [smem:$0x3FBB]  }
0x39: {  	_ = 	snop;
	(pc) =	sbr.ind lr, $3  }
0x3a: {  	_ = 	snop  }
0x3b: {  	_ = 	snop  }
0x3c: {  	p2 =	seq.s32 s10, $0x1;
	s10 =	sld [smem:$0x3FBA]  }
0x3d: {  	_ =	shalt  }
0x3e: {  	_ =	shalt  }
0x3f: {  	_ =	shalt  }
0x40: {  	_ =	shalt  }
0x41: {  	_ =	shalt  }
0x42: {  	_ =	shalt  }
0x43: {  	_ =	shalt  }
0x44: {  	_ =	shalt  }
0x45: {  	_ =	shalt  }
0x46: {  	_ =	shalt  }
0x47: {  	_ =	shalt  }
0x48: {  	_ =	shalt  }
0x49: {  	_ =	shalt  }
0x4a: {  	_ =	shalt  }
0x4b: {  	_ =	shalt  }
0x4c: {  	_ =	shalt  }
0x4d: {  	_ =	shalt  }
0x4e: {  	_ =	shalt  }
0x4f: {  	_ =	shalt  }
0x50: {  	_ =	shalt  }
0x51: {  	_ =	shalt  }
0x52: {  	_ =	shalt  }
0x53: {  	_ =	shalt  }
0x54: {  	_ =	shalt  }
0x55: {  	_ =	shalt  }
0x56: {  	_ =	shalt  }
0x57: {  	_ =	shalt  }
0x58: {  	_ =	shalt  }
0x59: {  	_ =	shalt  }
0x5a: {  	_ =	shalt  }
0x5b: {  	_ =	shalt  }
0x5c: {  	_ =	shalt  }
0x5d: {  	_ =	shalt  }
0x5e: {  	_ =	shalt  }
0x5f: {  	_ =	shalt  }
0x60: {  	_ =	shalt  }
0x61: {  	_ =	shalt  }
0x62: {  	_ =	shalt  }
0x63: {  	_ =	shalt  }
0x64: {  	_ =	shalt  }
0x65: {  	_ =	shalt  }
0x66: {  	_ =	shalt  }
0x67: {  	_ =	shalt  }
0x68: {  	_ =	shalt  }
0x69: {  	_ =	shalt  }
0x6a: {  	_ =	shalt  }
0x6b: {  	_ =	shalt  }
0x6c: {  	_ =	shalt  }
0x6d: {  	_ =	shalt  }
0x6e: {  	_ =	shalt  }
0x6f: {  	_ =	shalt  }
0x70: {  	_ =	shalt  }
0x71: {  	_ =	shalt  }
0x72: {  	_ =	shalt  }
0x73: {  	_ =	shalt  }
0x74: {  	_ =	shalt  }
0x75: {  	_ =	shalt  }
0x76: {  	_ =	shalt  }
0x77: {  	_ =	shalt  }
0x78: {  	_ =	shalt  }
0x79: {  	_ =	shalt  }
0x7a: {  	_ =	shalt  }
0x7b: {  	_ =	shalt  }
0x7c: {  	_ =	shalt  }
0x7d: {  	_ =	shalt  }
0x7e: {  	_ =	shalt  }
0x7f: {  	_ =	shalt  }
0x80: {  	_ =	shalt  }
0x81: {  	_ =	shalt  }
0x82: {  	_ =	shalt  }
0x83: {  	_ =	shalt  }
0x84: {  	_ =	shalt  }
0x85: {  	_ =	shalt  }
0x86: {  	_ =	shalt  }
0x87: {  	_ =	shalt  }
.Lfunc_end0:
.L_simem_size_0:
called_computation.1_lowered:
.L_overlay_start_0:
0x88: {  	s2 =	sld [smem:$0x3FD9]  }
0x89: {  	s3 =	sld [smem:$0x3FFE];
	_ =	sdelay $0x1  }
0x8a: {  	s1 =	srdreg.scid  }
0x8b: {  	s0 =	sand.u32 $0x1, s1  }
0x8c: {  	s17 =	sshll.u32 s0, $0xA;
	s2 =	sadd.s32 s3, s2  }
0x8d: {  	s2 =	sadd.s32 s2, s17  }
0x8e: {  	[smem:$0x3FC6] =	sst s2  }
0x8f: {  	_ = 	snop  }
0x90: {  	s2 =	sld [smem:$0x3FD0];
	(tm) =	ssettm $0x1  }
0x91: {  	s18 =	sld [smem:$0x3FFB];
	_ =	sdelay $0x3  }
0x92: {  	_ =	strace s18  }
0x93: {  	s3 =	sld [smem:$0x3FFC];
	_ =	sdelay $0x3  }
0x94: {  	_ =	strace s3  }
0x95: {  	s3 =	sld [smem:$0x3FFD];
	_ =	sdelay $0x3  }
0x96: {  	_ =	strace s3  }
0x97: {  	_ =	strace $0x8FFFFFFF  }
0x98: {  	s19 =	sld [smem:$0x3FDB];
	_ =	sdelay $0x1  }
0x99: {  	s4 =	simm.s32 $_scs_section_size  }
0x9a: {  	s5 =	simm.s32 $_size__tile_overlayer_lowered;
	s6 =	simm.s32 $_tile_overlayer_lowered  }
0x9b: {  	s22 =	simm.s32 $0x1BFF;
	s21 =	sshll.u32 s6, $0x1;
	s3 =	sadd.s32 s4, s19  }
0x9c: {  	s7 =	simm.s32 $0x0;
	s20 =	sshll.u32 s5, $0x1;
	s5 =	sadd.s32 s21, s3  }
0x9d: {  	[timem:s7], [sflag:s22] =	dma.local [hbm:s5], s20  }
0x9e: {  	_ =	swait.ge [sflag:s22], s20  }
0x9f: {  	s4 =	ssub.s32 $0x0, s20;
	[sflag:s22] =	ssyncset.done $0x0  }
0xa0: {  	[sflag:s22] =	ssyncadd.s32 s4;
	_ =	sdelay $0x1  }
0xa1: {  	s23 =	simm.s32 $0x1B8B  }
0xa2: {  	_ =	swait.ge [sflag:s23], $0x1  }
0xa3: {  	[sflag:s23] =	ssyncset.done $0x0  }
0xa4: {  	s25 =	simm.s32 $0x1B8E;
	s24 =	sld [smem:$0x3FFE];
	[sflag:s23] =	ssyncadd.s32 $0xFFFFFFFF  }
0xa5: {  	s26 =	simm.s32 $execute0_lowered;
	[smem:$0x3FD2] =	sst s25  }
0xa6: {  	s5 =	sshll.u32 s26, $0x1;
	_ =	strace $0x80000046;
	[dreg:$0x1] =	wrdreg $0xFFFFFFFF  }
0xa7: {  	s28 =	simm.s32 $_size_execute0_lowered;
	s3 =	sadd.s32 s3, s5;
	[dreg:$0x0] =	wrdreg $0x0  }
0xa8: {  	s5 =	sshll.u32 s28, $0x1;
	[dreg:$0x2] =	wrdreg s3  }
0xa9: {  	[dreg:$0x3] =	wrdreg s5  }
0xaa: {  	[dreg:$0x4] =	wrdreg $0xC0  }
0xab: {  	_ =	task [dreg:s7], $0x5FFFF  }
0xac: {  	[dreg:$0x1] =	wrdreg $0xFFFFFFFF  }
0xad: {  	[dreg:$0x0] =	wrdreg $0x60  }
0xae: {  	[dreg:$0x2] =	wrdreg s24  }
0xaf: {  	[dreg:$0x3] =	wrdreg s2  }
0xb0: {  	[dreg:$0x4] =	wrdreg $0x9  }
0xb1: {  	_ =	task.clear_ibuf [dreg:s7], $0x5FFFF;
	_ =	strace $0x90000046  }
0xb2: {  	s29 =	simm.s32 $0x9;
	_ =	strace $0x80000048  }
0xb3: {  	_ =	swait.ge [sflag:s29], $0x1  }
0xb4: {  	[sflag:s29] =	ssyncadd.s32 $0xFFFFFFFF  }
0xb5: {  	_ =	strace $0x90000048  }
0xb6: {  	_ =	sfence  }
0xb7: {  	s30 =	sld [smem:$0x0];
	_ =	sdelay $0x2  }
0xb8: {  	s31 =	sshll.u32 s1, $0xD;
	s1 =	sshrl.u32 s1, $0x2  }
0xb9: {  	s3 =	sand.u32 $0x4000, s31;
	s1 =	sadd.s32 s1, s30  }
0xba: {  	s0 =	sor.u32 s3, s0;
	s1 =	sshll.u32 s1, $0x11  }
0xbb: {  	s0 =	sor.u32 s1, s0  }
0xbc: {  	s0 =	sadd.s32 $0x8F2B, s0  }
0xbd: {  	[sflag:s0] =	ssyncadd.remote.s32 $0x1  }
0xbe: {  	_ =	sfence.sel $0xFFFF  }
0xbf: {  	[dreg:$0x0] =	wrdreg $0xFFFFFFFF;
	(pc) =	sbr.abs _section_cstart, $3  }
0xc0: {  	[dreg:$0x1] =	wrdreg $0xFFFFFFFF  }
0xc1: {  	_ =	task.clear_ibuf [dreg:s7], $0x2FFFF;
	_ =	strace $0x9FFFFFFF  }
0xc2: {  	(tm) =	ssettm $0x7FFFFFFF  }
0xc3: {  	_ =	shalt  }
tec
execute0_lowered:
.L_overlay_start_1:
0x0: {  	(tag) =	ssettag $0x1  }
0x1: {  	s0 =	srdreg.scid;
	s1 =	rddreg [dreg:$0x0]  }
0x2: {  	s9 =	stileid.u32;
	s6 =	rddreg [dreg:$0x1]  }
0x3: {  	s10 =	simm.s32 $0x50;
	s11 =	simm.s32 $0x6400;
	s12 =	simm.s32 $0x7800  }
0x4: {  	s14 =	simm.s32 $0x8C00;
	s16 =	simm.s32 $0xA000;
	s18 =	simm.s32 $0xB400  }
0x5: {  	s19 =	simm.s32 $0x1;
	s20 =	simm.s32 $0x9600;
	s21 =	simm.s32 $0xC800  }
0x6: {  	s28 =	simm.s32 $0xFA00;
	s29 =	simm.s32 $0x3;
	s5 =	smul.u32 $0x320000, s9  }
0x7: {  	s30 =	simm.s32 $0x4;
	s0 =	sand.u32 $0x1, s0;
	s25 =	smul.u32 $0x64000, s9  }
0x8: {  	s31 =	simm.s32 $0x0;
	s2 =	sshll.u32 s9, $0x1;
	s8 =	smul.u32 $0x190000, s0  }
0x9: {  	s3 =	sor.u32 s0, s2;
	s7 =	ssub.s32 $0x2, s0;
	s0 =	smul.u32 $0x32000, s0  }
0xa: {  	s9 =	simm.s32 $0x5;
	s2 =	simm.s32 $0x0;
	s4 =	smul.u32 $0xC80, s3  }
0xb: {  	[smem:$0x7FF] =	sst s2;
	s3 =	sadd.s32 $0xF42E00, s1;
	s22 =	sshrl.u32 s7, $0x1  }
0xc: {  	s26 =	sadd.s32 s25, s6;
	s25 =	simm.s32 $0x11800;
	_ =	strace $0x80000047  }
0xd: {  	s7 =	ssub.s32 s7, s22;
	s23 =	sadd.s32 s8, s5;
	s0 =	sadd.s32 s0, s26  }
.Ltmp0:
0xe: {  	s22 =	simm.s32 $0xDC00;
	s1 =	sadd.s32 s4, s1;
	(pc) =	sbr.rel .LBB2_1-.Ltmp0, $4  }
0xf: {  	s26 =	simm.s32 $0x2;
	s5 =	smax.u32 s7, $0x1;
	s1 =	sadd.s32 $0xA00, s1  }
0x10: {  	s24 =	sor.u32 $0x3200, s23;
	[dreg:$0x3] =	wrdreg s1;
	s1 =	sor.u32 $0x9600, s23  }
0x11: {  	s7 =	sshrl.u32 s24, $0x3;
	s24 =	simm.s32 $0x10400;
	s1 =	sshrl.u32 s1, $0x3  }
0x12: {  	s13 =	sadd.s32 s7, s6;
	s23 =	simm.s32 $0xF000;
	s1 =	sadd.s32 s1, s6  }
.LBB2_4:
0x13: {  	s31 =	sadd.s32 $0x1, s31  }
0x14: {  	_ =	swait.ge [sflag:s30], $0x3200;
	p0 =	sne.s32 s31, s5  }
.Ltmp1:
0x15: {  	[sflag:s30] =	ssyncset.done $0x0;
	(pc) =	sbr.rel @!p0 .LBB2_5-.Ltmp1, $4  }
0x16: {  	[sflag:s30] =	ssyncadd.s32 $0xFFFFCE00  }
0x17: {  	_ =	swait.ge [sflag:s30], $0x3200  }
0x18: {  	[sflag:s30] =	ssyncset.done $0x0  }
0x19: {  	[sflag:s30] =	ssyncadd.s32 $0xFFFFCE00  }
.LBB2_1:
0x1a: {  	s4 =	rddreg [dreg:$0x3]  }
0x1b: {  	[tilespmem:s2], [sflag:$0x5] =	stream.linear.gather [hbm4b:s4+s2], $0x6400, $0x38;
	[tilespmem:$0x12C00] =	vst v63  }
0x1c: {  	_ =	swait.ge [sflag:s9], $0x6400  }
0x1d: {  	[sflag:s9] =	ssyncset.done $0x0  }
0x1e: {  	[sflag:s9] =	ssyncadd.s32 $0xFFFF9C00  }
0x1f: {  	[tilespmem:s11], [sflag:$0x1] =	stream.indirect.gather [hbm4b:s3+s10], $0x40, s2, s10, $0xb8;
	[tilespmem:$0x12C00] =	vst v63  }
0x20: {  	_ = 	snop  }
0x21: {  	[tilespmem:s12], [sflag:$0x1] =	stream.indirect.gather [hbm4b:s3+s10], $0x40, s10, s10, $0xb8;
	[tilespmem:$0x12C00] =	vst v63  }
0x22: {  	s8 =	simm.s32 $0xA0  }
0x23: {  	[tilespmem:s14], [sflag:$0x1] =	stream.indirect.gather [hbm4b:s3+s10], $0x40, s8, s10, $0xb8;
	[tilespmem:$0x12C00] =	vst v63  }
0x24: {  	s15 =	simm.s32 $0xF0;
	s17 =	simm.s32 $0x140;
	s7 =	smov.u32 s0  }
0x25: {  	[tilespmem:s16], [sflag:$0x1] =	stream.indirect.gather [hbm4b:s3+s10], $0x40, s15, s10, $0xb8;
	[tilespmem:$0x12C00] =	vst v63  }
0x26: {  	s6 =	smov.u32 s13;
	s8 =	smov.u32 s1;
	s15 =	simm.s32 $0x0  }
0x27: {  	[tilespmem:s18], [sflag:$0x1] =	stream.indirect.gather [hbm4b:s3+s10], $0x40, s17, s10, $0xb8;
	[tilespmem:$0x12C00] =	vst v63  }
.LBB2_2:
0x28: {  	_ =	swait.ge [sflag:s19], $0x3200  }
0x29: {  	[sflag:s19] =	ssyncset.done $0x0  }
0x2a: {  	[sflag:s19] =	ssyncadd.s32 $0xFFFFCE00  }
0x2b: {  	_ =	swait.ge [sflag:s19], $0x3200  }
0x2c: {  	[sflag:s19] =	ssyncset.done $0x0  }
0x2d: {  	p0 =	seq.s32 s15, $0x0;
	[sflag:s19] =	ssyncadd.s32 $0xFFFFCE00  }
0x2e: {  	[hbm4b:s7+s2] =	stream.linear.scatter [tilespmem:s11], [sflag:$0x3], $0x3200, $0x38;
	[tilespmem:$0x12C00] =	vst v63  }
0x2f: {  	s4 =	simm.s32 @!p0 $0x4  }
0x30: {  	[hbm4b:s6+s2] =	stream.linear.scatter [tilespmem:s20], [sflag:$0x3], $0x3200, $0x38;
	[tilespmem:$0x12C00] =	vst v63  }
0x31: {  	_ =	swait.ge @!p0 [sflag:s4], $0x3200  }
0x32: {  	[sflag:s4] =	ssyncset.done @!p0 $0x0  }
0x33: {  	[sflag:s4] =	ssyncadd.s32 @!p0 $0xFFFFCE00  }
0x34: {  	_ =	swait.ge @!p0 [sflag:s4], $0x3200  }
0x35: {  	s17 =	sshra.s32 s15, $0x2;
	[sflag:s4] =	ssyncset.done @!p0 $0x0  }
0x36: {  	[sflag:s4] =	ssyncadd.s32 @!p0 $0xFFFFCE00;
	s4 =	sadd.s32 $0x190, s17  }
0x37: {  	[tilespmem:s21], [sflag:$0x2] =	stream.indirect.gather [hbm4b:s3+s10], $0x40, s4, s10, $0xb8;
	[tilespmem:$0x12C00] =	vst v63  }
0x38: {  	s4 =	sadd.s32 $0x1E0, s17  }
0x39: {  	[tilespmem:s22], [sflag:$0x2] =	stream.indirect.gather [hbm4b:s3+s10], $0x40, s4, s10, $0xb8;
	[tilespmem:$0x12C00] =	vst v63  }
0x3a: {  	s4 =	sadd.s32 $0x230, s17  }
0x3b: {  	[tilespmem:s23], [sflag:$0x2] =	stream.indirect.gather [hbm4b:s3+s10], $0x40, s4, s10, $0xb8;
	[tilespmem:$0x12C00] =	vst v63  }
0x3c: {  	s4 =	sadd.s32 $0x280, s17  }
0x3d: {  	[tilespmem:s24], [sflag:$0x2] =	stream.indirect.gather [hbm4b:s3+s10], $0x40, s4, s10, $0xb8;
	[tilespmem:$0x12C00] =	vst v63  }
0x3e: {  	s4 =	sadd.s32 $0x2D0, s17  }
0x3f: {  	[tilespmem:s25], [sflag:$0x2] =	stream.indirect.gather [hbm4b:s3+s10], $0x40, s4, s10, $0xb8;
	[tilespmem:$0x12C00] =	vst v63  }
0x40: {  	_ =	swait.ge [sflag:s26], $0x3200  }
0x41: {  	[sflag:s26] =	ssyncset.done $0x0  }
0x42: {  	[sflag:s26] =	ssyncadd.s32 $0xFFFFCE00  }
0x43: {  	_ =	swait.ge [sflag:s26], $0x3200  }
0x44: {  	[sflag:s26] =	ssyncset.done $0x0  }
0x45: {  	s4 =	sadd.s32 $0xC80, s7;
	[sflag:s26] =	ssyncadd.s32 $0xFFFFCE00  }
0x46: {  	[hbm4b:s4+s2] =	stream.linear.scatter [tilespmem:s21], [sflag:$0x4], $0x3200, $0x38;
	[tilespmem:$0x12C00] =	vst v63  }
0x47: {  	_ = 	snop  }
0x48: {  	[hbm4b:s8+s2] =	stream.linear.scatter [tilespmem:s28], [sflag:$0x4], $0x3200, $0x38;
	[tilespmem:$0x12C00] =	vst v63  }
0x49: {  	p0 =	seq.s32 s15, $0x18380;
	_ =	swait.ge [sflag:s29], $0x3200  }
.Ltmp2:
0x4a: {  	[sflag:s29] =	ssyncset.done $0x0;
	(pc) =	sbr.rel @p0 .LBB2_4-.Ltmp2, $4  }
0x4b: {  	[sflag:s29] =	ssyncadd.s32 $0xFFFFCE00  }
0x4c: {  	_ =	swait.ge [sflag:s29], $0x3200  }
0x4d: {  	[sflag:s29] =	ssyncset.done $0x0  }
0x4e: {  	[sflag:s29] =	ssyncadd.s32 $0xFFFFCE00  }
0x4f: {  	s4 =	sadd.s32 $0x320, s17  }
0x50: {  	[tilespmem:s11], [sflag:$0x1] =	stream.indirect.gather [hbm4b:s3+s10], $0x40, s4, s10, $0xb8;
	[tilespmem:$0x12C00] =	vst v63  }
0x51: {  	s4 =	sadd.s32 $0x370, s17  }
0x52: {  	[tilespmem:s12], [sflag:$0x1] =	stream.indirect.gather [hbm4b:s3+s10], $0x40, s4, s10, $0xb8;
	[tilespmem:$0x12C00] =	vst v63  }
0x53: {  	s4 =	sadd.s32 $0x3C0, s17  }
0x54: {  	[tilespmem:s14], [sflag:$0x1] =	stream.indirect.gather [hbm4b:s3+s10], $0x40, s4, s10, $0xb8;
	[tilespmem:$0x12C00] =	vst v63  }
.Ltmp3:
0x55: {  	_ = 	snop;
	(pc) =	sbr.rel .LBB2_2-.Ltmp3, $4  }
0x56: {  	s15 =	sadd.s32 $0xC80, s15;
	s6 =	sadd.s32 $0x1900, s6;
	s4 =	sadd.s32 $0x410, s17  }
0x57: {  	[tilespmem:s16], [sflag:$0x1] =	stream.indirect.gather [hbm4b:s3+s10], $0x40, s4, s10, $0xb8;
	[tilespmem:$0x12C00] =	vst v63  }
0x58: {  	s7 =	sadd.s32 $0x1900, s7;
	s8 =	sadd.s32 $0x1900, s8;
	s17 =	sadd.s32 $0x460, s17  }
0x59: {  	[tilespmem:s18], [sflag:$0x1] =	stream.indirect.gather [hbm4b:s3+s10], $0x40, s17, s10, $0xb8;
	[tilespmem:$0x12C00] =	vst v63  }
.LBB2_5:
0x5a: {  	_ =	sfence.sel $0x180000  }
0x5b: {  	[bflag:$0x0] =	sbarrier.arrive $0xFFFF  }
0x5c: {  	_ =	strace $0x90000047  }
0x5d: {  	s0 =	stileid.u32;
	[bflag:$0x2] =	sbarrier.arrive $0xFFFF  }
0x5e: {  	p0 =	sne.s32 s0, $0x0;
	s0 =	rddreg [dreg:$0x2]  }
0x5f: {  	s0 =	sadd.s32 @!p0 $0x100000, s0  }
0x60: {  	[sflag:s0] =	ssyncadd.tile.s32 @!p0 $0x1;
	_ =	shalt  }
.Lfunc_end2:
_tile_overlayer_lowered:
.L_overlay_start_2:
0x61: {  	(tag) =	ssettag $0x2  }
0x62: {  	s0 =	rddreg [dreg:$0x0];
	s2 =	stileid.u32  }
0x63: {  	s1 =	rddreg [dreg:$0x1];
	p0 =	sne.s32 s2, $0x0  }
0x64: {  	s3 =	rddreg [dreg:$0x2];
	[bflag:$0x3] =	sbarrier.arrive $0xFFFF;
	s2 =	simm.s32 @!p0 $0x1C05  }
0x65: {  	[timem:s3], [sflag:s2] =	dma.local @!p0 [hbm:s0], s1  }
0x66: {  	s0 =	simm.s32 @!p0 $0x5  }
0x67: {  	_ =	swait.ge @!p0 [sflag:s0], s1  }
0x68: {  	s1 =	ssub.s32 @!p0 $0x0, s1;
	[sflag:s0] =	ssyncset.done @!p0 $0x0  }
0x69: {  	[sflag:s0] =	ssyncadd.s32 @!p0 s1  }
0x6a: {  	[bflag:$0x3] =	sbarrier.arrive $0xFFFF  }
0x6b: {  	_ =	shalt  }

// kernel: sparse-core-data-format-call.cloned.1.call-start
scs
called_computation_lowered:
.L_overlay_start_0:
0x0: {  	s2 =	sld [smem:$0x3FD9]  }
0x1: {  	s3 =	sld [smem:$0x3FFE];
	_ =	sdelay $0x1  }
0x2: {  	s1 =	srdreg.scid  }
0x3: {  	s0 =	sand.u32 $0x1, s1  }
0x4: {  	s18 =	sshll.u32 s0, $0xA;
	s2 =	sadd.s32 s3, s2  }
0x5: {  	s2 =	sadd.s32 s2, s18  }
0x6: {  	[smem:$0x3FC6] =	sst s2  }
0x7: {  	_ = 	snop  }
0x8: {  	s2 =	sld [smem:$0x3FD0];
	(tm) =	ssettm $0x1  }
0x9: {  	s19 =	sld [smem:$0x3FFB];
	_ =	sdelay $0x3  }
0xa: {  	_ =	strace s19  }
0xb: {  	s3 =	sld [smem:$0x3FFC];
	_ =	sdelay $0x3  }
0xc: {  	_ =	strace s3  }
0xd: {  	s3 =	sld [smem:$0x3FFD];
	_ =	sdelay $0x3  }
0xe: {  	_ =	strace s3  }
0xf: {  	_ =	strace $0x8FFFFFFF  }
0x10: {  	s20 =	sld [smem:$0x3FDB];
	_ =	sdelay $0x1  }
0x11: {  	s4 =	simm.s32 $_scs_section_size  }
0x12: {  	s5 =	simm.s32 $_size__tile_overlayer_lowered;
	s6 =	simm.s32 $_tile_overlayer_lowered  }
0x13: {  	s23 =	simm.s32 $0x1BFF;
	s22 =	sshll.u32 s6, $0x1;
	s3 =	sadd.s32 s4, s20  }
0x14: {  	s7 =	simm.s32 $0x0;
	s21 =	sshll.u32 s5, $0x1;
	s5 =	sadd.s32 s22, s3  }
0x15: {  	[timem:s7], [sflag:s23] =	dma.local [hbm:s5], s21  }
0x16: {  	_ =	swait.ge [sflag:s23], s21  }
0x17: {  	s4 =	ssub.s32 $0x0, s21;
	[sflag:s23] =	ssyncset.done $0x0  }
0x18: {  	[sflag:s23] =	ssyncadd.s32 s4;
	_ =	sdelay $0x1  }
0x19: {  	s24 =	simm.s32 $0x1B8B  }
0x1a: {  	_ =	swait.ge [sflag:s24], $0x1  }
0x1b: {  	[sflag:s24] =	ssyncset.done $0x0  }
0x1c: {  	s26 =	simm.s32 $0x1B8E;
	s25 =	sld [smem:$0x3FFE];
	[sflag:s24] =	ssyncadd.s32 $0xFFFFFFFF  }
0x1d: {  	s27 =	simm.s32 $execute0_lowered;
	[smem:$0x3FD2] =	sst s26  }
0x1e: {  	s5 =	sshll.u32 s27, $0x1;
	_ =	strace $0x80000049;
	[dreg:$0x1] =	wrdreg $0xFFFFFFFF  }
0x1f: {  	s28 =	simm.s32 $_size_execute0_lowered;
	s3 =	sadd.s32 s3, s5;
	[dreg:$0x0] =	wrdreg $0x0  }
0x20: {  	s5 =	sshll.u32 s28, $0x1;
	[dreg:$0x2] =	wrdreg s3  }
0x21: {  	[dreg:$0x3] =	wrdreg s5  }
0x22: {  	[dreg:$0x4] =	wrdreg $0xC0  }
0x23: {  	_ =	task [dreg:s7], $0x5FFFF  }
0x24: {  	[dreg:$0x1] =	wrdreg $0xFFFFFFFF  }
0x25: {  	[dreg:$0x0] =	wrdreg $0x60  }
0x26: {  	[dreg:$0x2] =	wrdreg s25  }
0x27: {  	[dreg:$0x3] =	wrdreg s2  }
0x28: {  	[dreg:$0x4] =	wrdreg $0x9  }
0x29: {  	_ =	task.clear_ibuf [dreg:s7], $0x5FFFF;
	_ =	strace $0x90000049  }
0x2a: {  	s29 =	simm.s32 $0x9;
	_ =	strace $0x8000004B  }
0x2b: {  	_ =	swait.ge [sflag:s29], $0x1  }
0x2c: {  	[sflag:s29] =	ssyncadd.s32 $0xFFFFFFFF  }
0x2d: {  	_ =	strace $0x9000004B  }
0x2e: {  	_ =	sfence  }
0x2f: {  	s30 =	sld [smem:$0x0];
	_ =	sdelay $0x2  }
0x30: {  	s31 =	sshll.u32 s1, $0xD;
	s1 =	sshrl.u32 s1, $0x2  }
0x31: {  	s3 =	sand.u32 $0x4000, s31;
	s1 =	sadd.s32 s1, s30  }
0x32: {  	s0 =	sor.u32 s3, s0;
	s1 =	sshll.u32 s1, $0x11  }
0x33: {  	s0 =	sor.u32 s1, s0  }
0x34: {  	s0 =	sadd.s32 $0x8F2B, s0  }
0x35: {  	[sflag:s0] =	ssyncadd.remote.s32 $0x1  }
0x36: {  	_ =	sfence.sel $0xFFFF  }
0x37: {  	[dreg:$0x0] =	wrdreg $0xFFFFFFFF;
	(pc) =	sbr.abs _section_cstart, $3  }
0x38: {  	[dreg:$0x1] =	wrdreg $0xFFFFFFFF  }
0x39: {  	_ =	task.clear_ibuf [dreg:s7], $0x2FFFF;
	_ =	strace $0x9FFFFFFF  }
0x3a: {  	(tm) =	ssettm $0x7FFFFFFF  }
0x3b: {  	_ =	shalt  }
tec
execute0_lowered:
.L_overlay_start_1:
0x0: {  	(tag) =	ssettag $0x1  }
0x1: {  	s0 =	srdreg.scid  }
0x2: {  	s1 =	sshll.u32 s0, $0x4  }
0x3: {  	s0 =	stileid.u32;
	s1 =	sand.u32 $0x10, s1  }
0x4: {  	s1 =	sor.u32 s0, s1  }
0x5: {  	s6 =	rddreg [dreg:$0x0];
	s4 =	simm.s32 $0x1;
	s2 =	sshll.u32 s1, $0x7  }
0x6: {  	s7 =	simm.s32 $0x2;
	s12 =	simm.s32 $0x0;
	s1 =	ssub.s32 $0x1000, s2  }
0x7: {  	s8 =	simm.s32 $0x8000;
	s13 =	simm.s32 $0x0;
	s3 =	sand.u32 $0xF80, s1  }
0x8: {  	s9 =	simm.s32 $0x0;
	s5 =	sshrl.u32 s1, $0xC;
	p0 =	sne.s32 s3, $0x0  }
.Ltmp0:
0x9: {  	s1 =	rddreg [dreg:$0x2];
	s4 =	simm.s32 @!p0 $0x0;
	(pc) =	sbr.rel .LBB1_1-.Ltmp0, $4  }
0xa: {  	s11 =	simm.s32 $0x0;
	s3 =	rddreg [dreg:$0x1];
	s5 =	sadd.s32 s4, s5  }
0xb: {  	_ =	strace $0x8000004A;
	s4 =	simm.s32 $0x1;
	s5 =	smul.u32 $0xC8, s5  }
0xc: {  	s6 =	sadd.s32 $0xA00, s6;
	s10 =	smov.u32 s2;
	[sflag:s4] =	ssyncpa.u1 $0x0  }
0xd: {  	p0 =	por $0x0, $0x0;
	[sflag:s7] =	ssyncpa.u1 $0x0;
	s7 =	sor.u32 $0x1, s5  }
.LBB1_4:
0xe: {  	s16 =	sshll.u32 s13, $0x3;
	s17 =	sand.u32 $0x78, s13  }
0xf: {  	s30 =	sand.u32 $0x7E00, s13;
	s12 =	sshll.u32 s12, $0xF;
	s16 =	sand.u32 $0xC00, s16  }
0x10: {  	[tilespmem:s15+$0x810 ss:$0x81] =	vst.msk $0xffff, v2;
	s31 =	sand.u32 $0x7, s13;
	s16 =	sor.u32 s17, s16;
	s17 =	sadd.s32 s3, s30  }
0x11: {  	[tilespmem:s15+$0x1020 ss:$0x81] =	vst.msk $0xffff, v0;
	s13 =	sshll.u32 s31, $0x12;
	s12 =	sadd.s32 s12, s17;
	s16 =	sshrl.u32 s16, $0x3  }
0x12: {  	[tilespmem:s15+$0x0 ss:$0x81] =	vst.msk $0xffff, v1;
	s13 =	sor.u32 $0x400, s13;
	s12 =	sadd.s32 s16, s12  }
0x13: {  	[hbm4b:s12+s13] =	stream.strided.scatter [tilespmem:s14], [sflag:$0x2], $0x2000, s8, s13, $0x20;
	[tilespmem:$0x8080] =	vst v63  }
.LBB1_5:
0x14: {  	s14 =	sadd.s32 $0x1, s9  }
0x15: {  	s12 =	sadd.s32 $0x1000, s10;
	s16 =	smov.u32 s10;
	p2 =	sgt.s32 s14, $0xC7  }
0x16: {  	s16 =	smov.u32 @p2 s12  }
0x17: {  	s14 =	simm.s32 @p2 $0x0;
	p2 =	sgt.s32 s16, $0xFFF  }
0x18: {  	s16 =	smov.u32 @p2 s2;
	p2 =	sne.s32 s11, s7  }
.Ltmp1:
0x19: {  	p1 =	slt.u32 s11, $0x2;
	(pc) =	sbr.rel @!p2 .LBB1_6-.Ltmp1, $4  }
0x1a: {  	s15 =	simm.s32 @!p1 $0x2  }
0x1b: {  	s13 =	smov.u32 s10;
	p0 =	por !p0, !p0;
	_ =	swait.ge @!p1 [sflag:s15], $0x2000  }
0x1c: {  	s12 =	smov.u32 s9;
	[sflag:s15] =	ssyncset.done @!p1 $0x0;
	s9 =	smov.u32 s14  }
0x1d: {  	s11 =	sadd.s32 $0x1, s11;
	[sflag:s15] =	ssyncadd.s32 @!p1 $0xFFFFE000;
	s10 =	smov.u32 s16  }
.LBB1_1:
0x1e: {  	p1 =	sge.u32 s11, s5  }
0x1f: {  	s14 =	sand.u32 @!p1 $0x1FFFFFF, s9  }
0x20: {  	s15 =	smulhi.u32 @!p1 $0x147AE15, s14;
	_ =	sdelay $0x1  }
0x21: {  	s15 =	smul.u32 @!p1 $0xC8, s15  }
0x22: {  	s16 =	sxor.u32 @!p1 $0xFFFFFFFF, s11;
	s17 =	smul.u32 @!p1 $0xC80, s10  }
0x23: {  	s31 =	sadd.s32 $0xFFFFFFFF, s11;
	s16 =	sshll.u32 @!p1 s16, $0xD;
	s14 =	ssub.s32 @!p1 s14, s15  }
0x24: {  	s15 =	sand.u32 @!p1 $0x2000, s16;
	s16 =	sadd.s32 @!p1 s6, s17;
	s14 =	sshll.u32 @!p1 s14, $0x4  }
0x25: {  	s17 =	simm.s32 @!p1 $0x6400;
	s14 =	sadd.s32 @!p1 s14, s16;
	s16 =	simm.s32 @!p1 $0x40  }
0x26: {  	[tilespmem:s15], [sflag:$0x1] =	stream.strided.gather @!p1 [hbm4b:s14+s16], $0x2000, s17, s16, $0x38;
	[tilespmem:$0x8080] =	vst v63  }
0x27: {  	p1 =	sge.u32 s31, s5  }
.Ltmp2:
0x28: {  	_ = 	snop;
	(pc) =	sbr.rel @p1 .LBB1_5-.Ltmp2, $1  }
0x29: {  	_ =	sdelay $0x3  }
0x2a: {  	s14 =	simm.s32 $0x1  }
0x2b: {  	_ =	swait.ge [sflag:s4], $0x2000;
	s14 =	simm.s32 @!p0 $0x0  }
0x2c: {  	[sflag:s4] =	ssyncset.done $0x0;
	s15 =	sshll.u32 s14, $0xD  }
0x2d: {  	[sflag:s4] =	ssyncadd.s32 $0xFFFFE000;
	s18 =	sor.u32 $0x20, s15  }
0x2e: {  	s14 =	smul.u32 $0x8100, s14;
	v3 =	vld [tilespmem:s18+$0x10]  }
0x2f: {  	s30 =	sand.u32 $0x1, s11;
	v2 =	vld [tilespmem:s18+$0xFFFFFFF0]  }
0x30: {  	s15 =	smul.u32 $0x8100, s30;
	s14 =	sshrl.u32 s14, $0x2;
	v0 =	vld [tilespmem:s18+$0x0]  }
0x31: {  	v1 =	vld [tilespmem:s18+$0xFFFFFFE0];
	s16 =	sor.u32 $0x4000, s14  }
0x32: {  	s31 =	sshrl.u32 s15, $0x2;
	s15 =	sadd.s32 $0x0, s16  }
0x33: {  	s17 =	simm.s32 $0x4;
	s18 =	sadd.s32 $0x40, s18;
	s14 =	sor.u32 $0x4000, s31;
	[tilespmem:s15+$0x1830 ss:$0x81] =	vst.msk $0xffff, v3  }
.LBB1_3:
0x34: {  	v3 =	vld [tilespmem:s18+$0x10];
	p1 =	sne.s32 s17, $0x1FC;
	[tilespmem:s15+$0x810 ss:$0x81] =	vst.msk $0xffff, v2;
	s19 =	smov.u32 s17;
	s17 =	sadd.s32 $0x4, s17  }
.Ltmp3:
0x35: {  	v2 =	vld [tilespmem:s18+$0xFFFFFFF0];
	[tilespmem:s15+$0x1020 ss:$0x81] =	vst.msk $0xffff, v0;
	(pc) =	sbr.rel @p1 .LBB1_3-.Ltmp3, $4  }
0x36: {  	v0 =	vld [tilespmem:s18+$0x0];
	[tilespmem:s15+$0x0 ss:$0x81] =	vst.msk $0xffff, v1  }
0x37: {  	s15 =	sshra.s32 s19, $0x2;
	v1 =	vld [tilespmem:s18+$0xFFFFFFE0]  }
0x38: {  	s15 =	sadd.s32 s15, s16  }
0x39: {  	s18 =	sadd.s32 $0x40, s18;
	[tilespmem:s15+$0x1830 ss:$0x81] =	vst.msk $0xffff, v3  }
.Ltmp4:
0x3a: {  	_ = 	snop;
	(pc) =	sbr.rel .LBB1_4-.Ltmp4, $1  }
0x3b: {  	_ =	sdelay $0x3  }
.LBB1_6:
0x3c: {  	_ =	sfence.sel $0x180000  }
0x3d: {  	s2 =	simm.s32 $0x1;
	[bflag:$0x0] =	sbarrier.arrive $0xFFFF  }
0x3e: {  	s31 =	simm.s32 $0x2;
	[sflag:s2] =	ssyncpa.u1 $0x1  }
0x3f: {  	[sflag:s31] =	ssyncpa.u1 $0x1  }
0x40: {  	p0 =	sne.s32 s0, $0x0;
	_ =	strace $0x9000004A  }
0x41: {  	s0 =	sadd.s32 @!p0 $0x100000, s1;
	[bflag:$0x2] =	sbarrier.arrive $0xFFFF  }
0x42: {  	[sflag:s0] =	ssyncadd.tile.s32 @!p0 $0x1;
	_ =	shalt  }
.Lfunc_end1:
_tile_overlayer_lowered:
.L_overlay_start_2:
0x43: {  	(tag) =	ssettag $0x2  }
0x44: {  	s0 =	rddreg [dreg:$0x0];
	s2 =	stileid.u32  }
0x45: {  	s1 =	rddreg [dreg:$0x1];
	p0 =	sne.s32 s2, $0x0  }
0x46: {  	s3 =	rddreg [dreg:$0x2];
	[bflag:$0x3] =	sbarrier.arrive $0xFFFF;
	s2 =	simm.s32 @!p0 $0x1C01  }
0x47: {  	[timem:s3], [sflag:s2] =	dma.local @!p0 [hbm:s0], s1  }
0x48: {  	s0 =	simm.s32 @!p0 $0x1  }
0x49: {  	_ =	swait.ge @!p0 [sflag:s0], s1  }
0x4a: {  	s1 =	ssub.s32 @!p0 $0x0, s1;
	[sflag:s0] =	ssyncset.done @!p0 $0x0  }
0x4b: {  	[sflag:s0] =	ssyncadd.s32 @!p0 s1  }
0x4c: {  	[bflag:$0x3] =	sbarrier.arrive $0xFFFF  }
0x4d: {  	_ =	shalt  }

</sc_bundles>
